<compile_context>
chip_gen: v7x
topology: tpu7x:2x2x1
jax: 0.10.2.dev20260603
libtpu: 0.0.44.dev20260713+nightly
codegen_flags: <defaults>
</compile_context>

<pallas_src>
import functools

import jax
import jax.numpy as jnp
from jax import lax
from jax.experimental import pallas as pl
from jax.experimental.pallas import tpu as pltpu
from jax.experimental.pallas import tpu_sc as plsc


def _build_gather(B, V, D, NC, NS):
    NW = NC * NS
    BPW = B // NW
    CHUNK = 8
    NCH = BPW // CHUNK
    NBUF = 3

    mesh = plsc.VectorSubcoreMesh(core_axis_name="c", subcore_axis_name="s")

    @functools.partial(
        pl.kernel,
        mesh=mesh,
        out_type=jax.ShapeDtypeStruct((B, D), jnp.float32),
        scratch_types=[
            pltpu.VMEM((BPW,), jnp.int32),
            pltpu.VMEM((CHUNK, D), jnp.float32),
            pltpu.VMEM((CHUNK, D), jnp.float32),
            pltpu.VMEM((CHUNK, D), jnp.float32),
            pltpu.SemaphoreType.DMA,
            pltpu.SemaphoreType.DMA,
            pltpu.SemaphoreType.DMA,
            pltpu.SemaphoreType.DMA,
            pltpu.SemaphoreType.DMA,
            pltpu.SemaphoreType.DMA,
        ],
    )
    def k(table_hbm, ids_hbm, out_hbm, idx_v,
          buf0, buf1, buf2, gs0, gs1, gs2, ss0, ss1, ss2):
        wid = lax.axis_index("s") * NC + lax.axis_index("c")
        base = wid * BPW
        pltpu.sync_copy(ids_hbm.at[pl.ds(base, BPW)], idx_v)

        bufs = (buf0, buf1, buf2)
        gsems = (gs0, gs1, gs2)
        ssems = (ss0, ss1, ss2)

        def g_start(j, b):
            pltpu.async_copy(
                table_hbm.at[idx_v.at[pl.ds(j * CHUNK, CHUNK)]], bufs[b], gsems[b]
            )

        def g_wait(j, b):
            pltpu.make_async_copy(
                table_hbm.at[idx_v.at[pl.ds(j * CHUNK, CHUNK)]], bufs[b], gsems[b]
            ).wait()

        def s_start(j, b):
            pltpu.async_copy(bufs[b], out_hbm.at[pl.ds(base + j * CHUNK, CHUNK)], ssems[b])

        def s_wait(j, b):
            pltpu.make_async_copy(
                bufs[b], out_hbm.at[pl.ds(base + j * CHUNK, CHUNK)], ssems[b]
            ).wait()

        g_start(0, 0)
        g_start(1, 1)
        g_wait(0, 0); s_start(0, 0); g_start(2, 2)
        g_wait(1, 1); s_start(1, 1); s_wait(0, 0); g_start(3, 0)

        def body(j, b):
            g_wait(j, b)
            s_start(j, b)
            s_wait(j - 1, (b + 2) % NBUF)
            g_start(j + 2, (b + 2) % NBUF)

        F = (NCH - 4) // NBUF

        def group(gi, carry):
            j0 = 2 + gi * NBUF
            for u in range(NBUF):
                body(j0 + u, (2 + u) % NBUF)
            return carry

        lax.fori_loop(0, F, group, 0)

        for j in range(2 + NBUF * F, NCH - 2):
            body(j, j % NBUF)

        for j in range(NCH - 2, NCH):
            b = j % NBUF
            g_wait(j, b)
            s_start(j, b)
            s_wait(j - 1, (j - 1) % NBUF)
        s_wait(NCH - 1, (NCH - 1) % NBUF)

    return k


def kernel(input_ids, embed_weight):
    V, D = embed_weight.shape
    B = input_ids.size
    info = plsc.get_sparse_core_info()
    ids_flat = input_ids.reshape(-1).astype(jnp.int32)
    gather = _build_gather(B, V, D, info.num_cores, info.num_subcores)
    out = gather(embed_weight, ids_flat)
    return out.reshape(*input_ids.shape, D)

# --- scband reference (transcript-rebuilt; emitter-appended) ---
"""Pipeline reference for scband-embed-model-85005992723022 (READ-ONLY COPY).

The authoritative reference and input builder live on the scoring server;
editing this copy changes nothing except your own understanding.
"""

import jax, jax.numpy as jnp
import numpy as np

VOCAB = 32064
HIDDEN = 5120
PAD_IDX = 32000

def setup_inputs(seed: int = 0) -> dict:
    key = jax.random.key(seed)
    k1, k2 = jax.random.split(key)
    input_ids = jax.random.randint(k1, (4, 4096), 0, VOCAB, dtype=jnp.int64 if jax.config.read('jax_enable_x64') else jnp.int32)
    table = jax.random.normal(k2, (VOCAB, HIDDEN), dtype=jnp.float32) * 0.02
    # nn.Embedding with padding_idx initializes that row to zero
    table = table.at[PAD_IDX].set(0.0)
    return {"input_ids": input_ids, "embed_weight": table}

def reference(input_ids, embed_weight):
    # EmbedModel.forward: embedding lookup; dropout p=embd_pdrop=0.0 -> identity (inference)
    inputs_embeds = jnp.take(embed_weight, input_ids, axis=0)
    return inputs_embeds

if __name__ == "__main__":
    import jax
    _d = setup_inputs()
    print(jax.jit(kernel)(*tuple(_d.values())))

</pallas_src>

<mosaic_0001>
#map = affine_map<(d0, d1) -> (0, 0)>
#map1 = affine_map<(d0, d1) -> (0)>
module attributes {stable_mosaic.version = 14 : i64} {
  func.func @k(%arg0: i32, %arg1: i32, %arg2: memref<32064x5120xf32, #tpu.memory_space<hbm>>, %arg3: memref<16384xi32, #tpu.memory_space<hbm>>, %arg4: memref<16384x5120xf32, #tpu.memory_space<hbm>>, %arg5: memref<512xi32, #tpu.memory_space<vmem>>, %arg6: memref<8x5120xf32, #tpu.memory_space<vmem>>, %arg7: memref<8x5120xf32, #tpu.memory_space<vmem>>, %arg8: memref<8x5120xf32, #tpu.memory_space<vmem>>, %arg9: memref<!tpu.dma_semaphore, #tpu.memory_space<semaphore_mem>>, %arg10: memref<!tpu.dma_semaphore, #tpu.memory_space<semaphore_mem>>, %arg11: memref<!tpu.dma_semaphore, #tpu.memory_space<semaphore_mem>>, %arg12: memref<!tpu.dma_semaphore, #tpu.memory_space<semaphore_mem>>, %arg13: memref<!tpu.dma_semaphore, #tpu.memory_space<semaphore_mem>>, %arg14: memref<!tpu.dma_semaphore, #tpu.memory_space<semaphore_mem>>) attributes {dimension_semantics = [#tpu.dimension_semantics<core_parallel>, #tpu.dimension_semantics<subcore_parallel>], iteration_bounds = array<i64: 2, 16>, scalar_prefetch = 0 : i64, scratch_operands = 10 : i64, tpu.core_type = #tpu.core_type<sc_vector_subcore>, window_params = [{transform_indices = #map}, {transform_indices = #map1}, {transform_indices = #map}]} {
    %mul3A = arith.constant 2 : i32
    %mul3A_0 = arith.muli %arg1, %mul3A : i32
    %add3A = arith.addi %mul3A_0, %arg0 : i32
    %mul3A_1 = arith.constant 512 : i32
    %mul3A_2 = arith.muli %add3A, %mul3A_1 : i32
    "tpu.region"() ({
      %run_scoped3A = tpu.sem_alloc : memref<!tpu.dma_semaphore, #tpu.memory_space<semaphore_mem>>
      %dma_start3A_94 = tpu.memref_slice %arg3[%mul3A_2] : memref<16384xi32, #tpu.memory_space<hbm>> -> memref<512xi32, #tpu.memory_space<hbm>>
      %dma_start3A_95 = tpu.memref_slice %arg3[%mul3A_2] : memref<16384xi32, #tpu.memory_space<hbm>> -> memref<512xi32, #tpu.memory_space<hbm>>
      tpu.enqueue_dma source(%dma_start3A_95 : memref<512xi32, #tpu.memory_space<hbm>>) target(%arg5 : memref<512xi32, #tpu.memory_space<vmem>>) target_semaphore(%run_scoped3A : memref<!tpu.dma_semaphore, #tpu.memory_space<semaphore_mem>>)
      %dma_wait3A_96 = tpu.memref_slice %arg3[%mul3A_2] : memref<16384xi32, #tpu.memory_space<hbm>> -> memref<512xi32, #tpu.memory_space<hbm>>
      %dma_wait3A_97 = tpu.memref_slice %arg3[%mul3A_2] : memref<16384xi32, #tpu.memory_space<hbm>> -> memref<512xi32, #tpu.memory_space<hbm>>
      tpu.wait_dma2 semaphore(%run_scoped3A : memref<!tpu.dma_semaphore, #tpu.memory_space<semaphore_mem>>) src(%dma_wait3A_97 : memref<512xi32, #tpu.memory_space<hbm>>) dst(%arg5 : memref<512xi32, #tpu.memory_space<vmem>>)
      tpu.yield
    }) : () -> ()
    %dma_start3A = arith.constant 0 : i32
    %dma_start3A_3 = tpu.memref_slice %arg5[%dma_start3A] : memref<512xi32, #tpu.memory_space<vmem>> -> memref<8xi32, #tpu.memory_space<vmem>>
    %dma_start3A_4 = arith.constant 0 : i32
    %dma_start3A_5 = arith.constant 0 : i32
    %dma_start3A_6 = tpu.memref_slice %arg2[%dma_start3A_4, %dma_start3A_5] : memref<32064x5120xf32, #tpu.memory_space<hbm>> -> memref<32064x5120xf32, #tpu.memory_space<hbm>>
    tpu.enqueue_indirect_dma source(%dma_start3A_6 : memref<32064x5120xf32, #tpu.memory_space<hbm>>) target(%arg6 : memref<8x5120xf32, #tpu.memory_space<vmem>>) offsets(%dma_start3A_3 : memref<8xi32, #tpu.memory_space<vmem>>) semaphore(%arg9 : memref<!tpu.dma_semaphore, #tpu.memory_space<semaphore_mem>>)
    %dma_start3A_7 = arith.constant 8 : i32
    %dma_start3A_8 = tpu.memref_slice %arg5[%dma_start3A_7] : memref<512xi32, #tpu.memory_space<vmem>> -> memref<8xi32, #tpu.memory_space<vmem>>
    %dma_start3A_9 = arith.constant 0 : i32
    %dma_start3A_10 = arith.constant 0 : i32
    %dma_start3A_11 = tpu.memref_slice %arg2[%dma_start3A_9, %dma_start3A_10] : memref<32064x5120xf32, #tpu.memory_space<hbm>> -> memref<32064x5120xf32, #tpu.memory_space<hbm>>
    tpu.enqueue_indirect_dma source(%dma_start3A_11 : memref<32064x5120xf32, #tpu.memory_space<hbm>>) target(%arg7 : memref<8x5120xf32, #tpu.memory_space<vmem>>) offsets(%dma_start3A_8 : memref<8xi32, #tpu.memory_space<vmem>>) semaphore(%arg10 : memref<!tpu.dma_semaphore, #tpu.memory_space<semaphore_mem>>)
    %dma_wait3A = arith.constant 0 : i32
    %dma_wait3A_12 = tpu.memref_slice %arg5[%dma_wait3A] : memref<512xi32, #tpu.memory_space<vmem>> -> memref<8xi32, #tpu.memory_space<vmem>>
    %dma_wait3A_13 = arith.constant 0 : i32
    %dma_wait3A_14 = arith.constant 0 : i32
    %dma_wait3A_15 = tpu.memref_slice %arg2[%dma_wait3A_13, %dma_wait3A_14] : memref<32064x5120xf32, #tpu.memory_space<hbm>> -> memref<32064x5120xf32, #tpu.memory_space<hbm>>
    tpu.wait_indirect_dma semaphore(%arg9 : memref<!tpu.dma_semaphore, #tpu.memory_space<semaphore_mem>>) src(%dma_wait3A_15 : memref<32064x5120xf32, #tpu.memory_space<hbm>>) dst(%arg6 : memref<8x5120xf32, #tpu.memory_space<vmem>>)
    %add3A_16 = arith.constant 0 : i32
    %add3A_17 = arith.addi %mul3A_2, %add3A_16 : i32
    %dma_start3A_18 = arith.constant 0 : i32
    %dma_start3A_19 = tpu.memref_slice %arg4[%add3A_17, %dma_start3A_18] : memref<16384x5120xf32, #tpu.memory_space<hbm>> -> memref<8x5120xf32, #tpu.memory_space<hbm>>
    %dma_start3A_20 = arith.constant 0 : i32
    %dma_start3A_21 = tpu.memref_slice %arg4[%add3A_17, %dma_start3A_20] : memref<16384x5120xf32, #tpu.memory_space<hbm>> -> memref<8x5120xf32, #tpu.memory_space<hbm>>
    tpu.enqueue_dma source(%arg6 : memref<8x5120xf32, #tpu.memory_space<vmem>>) target(%dma_start3A_21 : memref<8x5120xf32, #tpu.memory_space<hbm>>) target_semaphore(%arg12 : memref<!tpu.dma_semaphore, #tpu.memory_space<semaphore_mem>>)
    %dma_start3A_22 = arith.constant 16 : i32
    %dma_start3A_23 = tpu.memref_slice %arg5[%dma_start3A_22] : memref<512xi32, #tpu.memory_space<vmem>> -> memref<8xi32, #tpu.memory_space<vmem>>
    %dma_start3A_24 = arith.constant 0 : i32
    %dma_start3A_25 = arith.constant 0 : i32
    %dma_start3A_26 = tpu.memref_slice %arg2[%dma_start3A_24, %dma_start3A_25] : memref<32064x5120xf32, #tpu.memory_space<hbm>> -> memref<32064x5120xf32, #tpu.memory_space<hbm>>
    tpu.enqueue_indirect_dma source(%dma_start3A_26 : memref<32064x5120xf32, #tpu.memory_space<hbm>>) target(%arg8 : memref<8x5120xf32, #tpu.memory_space<vmem>>) offsets(%dma_start3A_23 : memref<8xi32, #tpu.memory_space<vmem>>) semaphore(%arg11 : memref<!tpu.dma_semaphore, #tpu.memory_space<semaphore_mem>>)
    %dma_wait3A_27 = arith.constant 8 : i32
    %dma_wait3A_28 = tpu.memref_slice %arg5[%dma_wait3A_27] : memref<512xi32, #tpu.memory_space<vmem>> -> memref<8xi32, #tpu.memory_space<vmem>>
    %dma_wait3A_29 = arith.constant 0 : i32
    %dma_wait3A_30 = arith.constant 0 : i32
    %dma_wait3A_31 = tpu.memref_slice %arg2[%dma_wait3A_29, %dma_wait3A_30] : memref<32064x5120xf32, #tpu.memory_space<hbm>> -> memref<32064x5120xf32, #tpu.memory_space<hbm>>
    tpu.wait_indirect_dma semaphore(%arg10 : memref<!tpu.dma_semaphore, #tpu.memory_space<semaphore_mem>>) src(%dma_wait3A_31 : memref<32064x5120xf32, #tpu.memory_space<hbm>>) dst(%arg7 : memref<8x5120xf32, #tpu.memory_space<vmem>>)
    %add3A_32 = arith.constant 8 : i32
    %add3A_33 = arith.addi %mul3A_2, %add3A_32 : i32
    %dma_start3A_34 = arith.constant 0 : i32
    %dma_start3A_35 = tpu.memref_slice %arg4[%add3A_33, %dma_start3A_34] : memref<16384x5120xf32, #tpu.memory_space<hbm>> -> memref<8x5120xf32, #tpu.memory_space<hbm>>
    %dma_start3A_36 = arith.constant 0 : i32
    %dma_start3A_37 = tpu.memref_slice %arg4[%add3A_33, %dma_start3A_36] : memref<16384x5120xf32, #tpu.memory_space<hbm>> -> memref<8x5120xf32, #tpu.memory_space<hbm>>
    tpu.enqueue_dma source(%arg7 : memref<8x5120xf32, #tpu.memory_space<vmem>>) target(%dma_start3A_37 : memref<8x5120xf32, #tpu.memory_space<hbm>>) target_semaphore(%arg13 : memref<!tpu.dma_semaphore, #tpu.memory_space<semaphore_mem>>)
    %add3A_38 = arith.constant 0 : i32
    %add3A_39 = arith.addi %mul3A_2, %add3A_38 : i32
    %dma_wait3A_40 = arith.constant 0 : i32
    %dma_wait3A_41 = tpu.memref_slice %arg4[%add3A_39, %dma_wait3A_40] : memref<16384x5120xf32, #tpu.memory_space<hbm>> -> memref<8x5120xf32, #tpu.memory_space<hbm>>
    %dma_wait3A_42 = arith.constant 0 : i32
    %dma_wait3A_43 = tpu.memref_slice %arg4[%add3A_39, %dma_wait3A_42] : memref<16384x5120xf32, #tpu.memory_space<hbm>> -> memref<8x5120xf32, #tpu.memory_space<hbm>>
    tpu.wait_dma2 semaphore(%arg12 : memref<!tpu.dma_semaphore, #tpu.memory_space<semaphore_mem>>) src(%arg6 : memref<8x5120xf32, #tpu.memory_space<vmem>>) dst(%dma_wait3A_43 : memref<8x5120xf32, #tpu.memory_space<hbm>>)
    %dma_start3A_44 = arith.constant 24 : i32
    %dma_start3A_45 = tpu.memref_slice %arg5[%dma_start3A_44] : memref<512xi32, #tpu.memory_space<vmem>> -> memref<8xi32, #tpu.memory_space<vmem>>
    %dma_start3A_46 = arith.constant 0 : i32
    %dma_start3A_47 = arith.constant 0 : i32
    %dma_start3A_48 = tpu.memref_slice %arg2[%dma_start3A_46, %dma_start3A_47] : memref<32064x5120xf32, #tpu.memory_space<hbm>> -> memref<32064x5120xf32, #tpu.memory_space<hbm>>
    tpu.enqueue_indirect_dma source(%dma_start3A_48 : memref<32064x5120xf32, #tpu.memory_space<hbm>>) target(%arg6 : memref<8x5120xf32, #tpu.memory_space<vmem>>) offsets(%dma_start3A_45 : memref<8xi32, #tpu.memory_space<vmem>>) semaphore(%arg9 : memref<!tpu.dma_semaphore, #tpu.memory_space<semaphore_mem>>)
    %scan3A = arith.constant 0 : i32
    %scan3A_49 = arith.constant 0 : i32
    %scan3A_50 = arith.constant 20 : i32
    %scan3A_51 = arith.addi %scan3A_49, %scan3A_50 : i32
    %scan3A_52 = arith.constant 1 : i32
    scf.for %scan3A_94 = %scan3A_49 to %scan3A_51 step %scan3A_52  : i32 {
      %mul3A_95 = arith.constant 3 : i32
      %mul3A_96 = arith.muli %scan3A_94, %mul3A_95 : i32
      %add3A_97 = arith.constant 2 : i32
      %add3A_98 = arith.addi %add3A_97, %mul3A_96 : i32
      %add3A_99 = arith.constant 0 : i32
      %add3A_100 = arith.addi %add3A_98, %add3A_99 : i32
      %mul3A_101 = arith.constant 8 : i32
      %mul3A_102 = arith.muli %add3A_100, %mul3A_101 : i32
      %dma_wait3A_103 = tpu.memref_slice %arg5[%mul3A_102] : memref<512xi32, #tpu.memory_space<vmem>> -> memref<8xi32, #tpu.memory_space<vmem>>
      %dma_wait3A_104 = arith.constant 0 : i32
      %dma_wait3A_105 = arith.constant 0 : i32
      %dma_wait3A_106 = tpu.memref_slice %arg2[%dma_wait3A_104, %dma_wait3A_105] : memref<32064x5120xf32, #tpu.memory_space<hbm>> -> memref<32064x5120xf32, #tpu.memory_space<hbm>>
      tpu.wait_indirect_dma semaphore(%arg11 : memref<!tpu.dma_semaphore, #tpu.memory_space<semaphore_mem>>) src(%dma_wait3A_106 : memref<32064x5120xf32, #tpu.memory_space<hbm>>) dst(%arg8 : memref<8x5120xf32, #tpu.memory_space<vmem>>)
      %mul3A_107 = arith.constant 8 : i32
      %mul3A_108 = arith.muli %add3A_100, %mul3A_107 : i32
      %add3A_109 = arith.addi %mul3A_2, %mul3A_108 : i32
      %dma_start3A_110 = arith.constant 0 : i32
      %dma_start3A_111 = tpu.memref_slice %arg4[%add3A_109, %dma_start3A_110] : memref<16384x5120xf32, #tpu.memory_space<hbm>> -> memref<8x5120xf32, #tpu.memory_space<hbm>>
      %dma_start3A_112 = arith.constant 0 : i32
      %dma_start3A_113 = tpu.memref_slice %arg4[%add3A_109, %dma_start3A_112] : memref<16384x5120xf32, #tpu.memory_space<hbm>> -> memref<8x5120xf32, #tpu.memory_space<hbm>>
      tpu.enqueue_dma source(%arg8 : memref<8x5120xf32, #tpu.memory_space<vmem>>) target(%dma_start3A_113 : memref<8x5120xf32, #tpu.memory_space<hbm>>) target_semaphore(%arg14 : memref<!tpu.dma_semaphore, #tpu.memory_space<semaphore_mem>>)
      %sub3A = arith.constant 1 : i32
      %sub3A_114 = arith.subi %add3A_100, %sub3A : i32
      %mul3A_115 = arith.constant 8 : i32
      %mul3A_116 = arith.muli %sub3A_114, %mul3A_115 : i32
      %add3A_117 = arith.addi %mul3A_2, %mul3A_116 : i32
      %dma_wait3A_118 = arith.constant 0 : i32
      %dma_wait3A_119 = tpu.memref_slice %arg4[%add3A_117, %dma_wait3A_118] : memref<16384x5120xf32, #tpu.memory_space<hbm>> -> memref<8x5120xf32, #tpu.memory_space<hbm>>
      %dma_wait3A_120 = arith.constant 0 : i32
      %dma_wait3A_121 = tpu.memref_slice %arg4[%add3A_117, %dma_wait3A_120] : memref<16384x5120xf32, #tpu.memory_space<hbm>> -> memref<8x5120xf32, #tpu.memory_space<hbm>>
      tpu.wait_dma2 semaphore(%arg13 : memref<!tpu.dma_semaphore, #tpu.memory_space<semaphore_mem>>) src(%arg7 : memref<8x5120xf32, #tpu.memory_space<vmem>>) dst(%dma_wait3A_121 : memref<8x5120xf32, #tpu.memory_space<hbm>>)
      %add3A_122 = arith.constant 2 : i32
      %add3A_123 = arith.addi %add3A_100, %add3A_122 : i32
      %mul3A_124 = arith.constant 8 : i32
      %mul3A_125 = arith.muli %add3A_123, %mul3A_124 : i32
      %dma_start3A_126 = tpu.memref_slice %arg5[%mul3A_125] : memref<512xi32, #tpu.memory_space<vmem>> -> memref<8xi32, #tpu.memory_space<vmem>>
      %dma_start3A_127 = arith.constant 0 : i32
      %dma_start3A_128 = arith.constant 0 : i32
      %dma_start3A_129 = tpu.memref_slice %arg2[%dma_start3A_127, %dma_start3A_128] : memref<32064x5120xf32, #tpu.memory_space<hbm>> -> memref<32064x5120xf32, #tpu.memory_space<hbm>>
      tpu.enqueue_indirect_dma source(%dma_start3A_129 : memref<32064x5120xf32, #tpu.memory_space<hbm>>) target(%arg7 : memref<8x5120xf32, #tpu.memory_space<vmem>>) offsets(%dma_start3A_126 : memref<8xi32, #tpu.memory_space<vmem>>) semaphore(%arg10 : memref<!tpu.dma_semaphore, #tpu.memory_space<semaphore_mem>>)
      %add3A_130 = arith.constant 1 : i32
      %add3A_131 = arith.addi %add3A_98, %add3A_130 : i32
      %mul3A_132 = arith.constant 8 : i32
      %mul3A_133 = arith.muli %add3A_131, %mul3A_132 : i32
      %dma_wait3A_134 = tpu.memref_slice %arg5[%mul3A_133] : memref<512xi32, #tpu.memory_space<vmem>> -> memref<8xi32, #tpu.memory_space<vmem>>
      %dma_wait3A_135 = arith.constant 0 : i32
      %dma_wait3A_136 = arith.constant 0 : i32
      %dma_wait3A_137 = tpu.memref_slice %arg2[%dma_wait3A_135, %dma_wait3A_136] : memref<32064x5120xf32, #tpu.memory_space<hbm>> -> memref<32064x5120xf32, #tpu.memory_space<hbm>>
      tpu.wait_indirect_dma semaphore(%arg9 : memref<!tpu.dma_semaphore, #tpu.memory_space<semaphore_mem>>) src(%dma_wait3A_137 : memref<32064x5120xf32, #tpu.memory_space<hbm>>) dst(%arg6 : memref<8x5120xf32, #tpu.memory_space<vmem>>)
      %mul3A_138 = arith.constant 8 : i32
      %mul3A_139 = arith.muli %add3A_131, %mul3A_138 : i32
      %add3A_140 = arith.addi %mul3A_2, %mul3A_139 : i32
      %dma_start3A_141 = arith.constant 0 : i32
      %dma_start3A_142 = tpu.memref_slice %arg4[%add3A_140, %dma_start3A_141] : memref<16384x5120xf32, #tpu.memory_space<hbm>> -> memref<8x5120xf32, #tpu.memory_space<hbm>>
      %dma_start3A_143 = arith.constant 0 : i32
      %dma_start3A_144 = tpu.memref_slice %arg4[%add3A_140, %dma_start3A_143] : memref<16384x5120xf32, #tpu.memory_space<hbm>> -> memref<8x5120xf32, #tpu.memory_space<hbm>>
      tpu.enqueue_dma source(%arg6 : memref<8x5120xf32, #tpu.memory_space<vmem>>) target(%dma_start3A_144 : memref<8x5120xf32, #tpu.memory_space<hbm>>) target_semaphore(%arg12 : memref<!tpu.dma_semaphore, #tpu.memory_space<semaphore_mem>>)
      %sub3A_145 = arith.constant 1 : i32
      %sub3A_146 = arith.subi %add3A_131, %sub3A_145 : i32
      %mul3A_147 = arith.constant 8 : i32
      %mul3A_148 = arith.muli %sub3A_146, %mul3A_147 : i32
      %add3A_149 = arith.addi %mul3A_2, %mul3A_148 : i32
      %dma_wait3A_150 = arith.constant 0 : i32
      %dma_wait3A_151 = tpu.memref_slice %arg4[%add3A_149, %dma_wait3A_150] : memref<16384x5120xf32, #tpu.memory_space<hbm>> -> memref<8x5120xf32, #tpu.memory_space<hbm>>
      %dma_wait3A_152 = arith.constant 0 : i32
      %dma_wait3A_153 = tpu.memref_slice %arg4[%add3A_149, %dma_wait3A_152] : memref<16384x5120xf32, #tpu.memory_space<hbm>> -> memref<8x5120xf32, #tpu.memory_space<hbm>>
      tpu.wait_dma2 semaphore(%arg14 : memref<!tpu.dma_semaphore, #tpu.memory_space<semaphore_mem>>) src(%arg8 : memref<8x5120xf32, #tpu.memory_space<vmem>>) dst(%dma_wait3A_153 : memref<8x5120xf32, #tpu.memory_space<hbm>>)
      %add3A_154 = arith.constant 2 : i32
      %add3A_155 = arith.addi %add3A_131, %add3A_154 : i32
      %mul3A_156 = arith.constant 8 : i32
      %mul3A_157 = arith.muli %add3A_155, %mul3A_156 : i32
      %dma_start3A_158 = tpu.memref_slice %arg5[%mul3A_157] : memref<512xi32, #tpu.memory_space<vmem>> -> memref<8xi32, #tpu.memory_space<vmem>>
      %dma_start3A_159 = arith.constant 0 : i32
      %dma_start3A_160 = arith.constant 0 : i32
      %dma_start3A_161 = tpu.memref_slice %arg2[%dma_start3A_159, %dma_start3A_160] : memref<32064x5120xf32, #tpu.memory_space<hbm>> -> memref<32064x5120xf32, #tpu.memory_space<hbm>>
      tpu.enqueue_indirect_dma source(%dma_start3A_161 : memref<32064x5120xf32, #tpu.memory_space<hbm>>) target(%arg8 : memref<8x5120xf32, #tpu.memory_space<vmem>>) offsets(%dma_start3A_158 : memref<8xi32, #tpu.memory_space<vmem>>) semaphore(%arg11 : memref<!tpu.dma_semaphore, #tpu.memory_space<semaphore_mem>>)
      %add3A_162 = arith.constant 2 : i32
      %add3A_163 = arith.addi %add3A_98, %add3A_162 : i32
      %mul3A_164 = arith.constant 8 : i32
      %mul3A_165 = arith.muli %add3A_163, %mul3A_164 : i32
      %dma_wait3A_166 = tpu.memref_slice %arg5[%mul3A_165] : memref<512xi32, #tpu.memory_space<vmem>> -> memref<8xi32, #tpu.memory_space<vmem>>
      %dma_wait3A_167 = arith.constant 0 : i32
      %dma_wait3A_168 = arith.constant 0 : i32
      %dma_wait3A_169 = tpu.memref_slice %arg2[%dma_wait3A_167, %dma_wait3A_168] : memref<32064x5120xf32, #tpu.memory_space<hbm>> -> memref<32064x5120xf32, #tpu.memory_space<hbm>>
      tpu.wait_indirect_dma semaphore(%arg10 : memref<!tpu.dma_semaphore, #tpu.memory_space<semaphore_mem>>) src(%dma_wait3A_169 : memref<32064x5120xf32, #tpu.memory_space<hbm>>) dst(%arg7 : memref<8x5120xf32, #tpu.memory_space<vmem>>)
      %mul3A_170 = arith.constant 8 : i32
      %mul3A_171 = arith.muli %add3A_163, %mul3A_170 : i32
      %add3A_172 = arith.addi %mul3A_2, %mul3A_171 : i32
      %dma_start3A_173 = arith.constant 0 : i32
      %dma_start3A_174 = tpu.memref_slice %arg4[%add3A_172, %dma_start3A_173] : memref<16384x5120xf32, #tpu.memory_space<hbm>> -> memref<8x5120xf32, #tpu.memory_space<hbm>>
      %dma_start3A_175 = arith.constant 0 : i32
      %dma_start3A_176 = tpu.memref_slice %arg4[%add3A_172, %dma_start3A_175] : memref<16384x5120xf32, #tpu.memory_space<hbm>> -> memref<8x5120xf32, #tpu.memory_space<hbm>>
      tpu.enqueue_dma source(%arg7 : memref<8x5120xf32, #tpu.memory_space<vmem>>) target(%dma_start3A_176 : memref<8x5120xf32, #tpu.memory_space<hbm>>) target_semaphore(%arg13 : memref<!tpu.dma_semaphore, #tpu.memory_space<semaphore_mem>>)
      %sub3A_177 = arith.constant 1 : i32
      %sub3A_178 = arith.subi %add3A_163, %sub3A_177 : i32
      %mul3A_179 = arith.constant 8 : i32
      %mul3A_180 = arith.muli %sub3A_178, %mul3A_179 : i32
      %add3A_181 = arith.addi %mul3A_2, %mul3A_180 : i32
      %dma_wait3A_182 = arith.constant 0 : i32
      %dma_wait3A_183 = tpu.memref_slice %arg4[%add3A_181, %dma_wait3A_182] : memref<16384x5120xf32, #tpu.memory_space<hbm>> -> memref<8x5120xf32, #tpu.memory_space<hbm>>
      %dma_wait3A_184 = arith.constant 0 : i32
      %dma_wait3A_185 = tpu.memref_slice %arg4[%add3A_181, %dma_wait3A_184] : memref<16384x5120xf32, #tpu.memory_space<hbm>> -> memref<8x5120xf32, #tpu.memory_space<hbm>>
      tpu.wait_dma2 semaphore(%arg12 : memref<!tpu.dma_semaphore, #tpu.memory_space<semaphore_mem>>) src(%arg6 : memref<8x5120xf32, #tpu.memory_space<vmem>>) dst(%dma_wait3A_185 : memref<8x5120xf32, #tpu.memory_space<hbm>>)
      %add3A_186 = arith.constant 2 : i32
      %add3A_187 = arith.addi %add3A_163, %add3A_186 : i32
      %mul3A_188 = arith.constant 8 : i32
      %mul3A_189 = arith.muli %add3A_187, %mul3A_188 : i32
      %dma_start3A_190 = tpu.memref_slice %arg5[%mul3A_189] : memref<512xi32, #tpu.memory_space<vmem>> -> memref<8xi32, #tpu.memory_space<vmem>>
      %dma_start3A_191 = arith.constant 0 : i32
      %dma_start3A_192 = arith.constant 0 : i32
      %dma_start3A_193 = tpu.memref_slice %arg2[%dma_start3A_191, %dma_start3A_192] : memref<32064x5120xf32, #tpu.memory_space<hbm>> -> memref<32064x5120xf32, #tpu.memory_space<hbm>>
      tpu.enqueue_indirect_dma source(%dma_start3A_193 : memref<32064x5120xf32, #tpu.memory_space<hbm>>) target(%arg6 : memref<8x5120xf32, #tpu.memory_space<vmem>>) offsets(%dma_start3A_190 : memref<8xi32, #tpu.memory_space<vmem>>) semaphore(%arg9 : memref<!tpu.dma_semaphore, #tpu.memory_space<semaphore_mem>>)
    }
    %scan3A_53 = arith.constant 20 : i32
    %dma_wait3A_54 = arith.constant 496 : i32
    %dma_wait3A_55 = tpu.memref_slice %arg5[%dma_wait3A_54] : memref<512xi32, #tpu.memory_space<vmem>> -> memref<8xi32, #tpu.memory_space<vmem>>
    %dma_wait3A_56 = arith.constant 0 : i32
    %dma_wait3A_57 = arith.constant 0 : i32
    %dma_wait3A_58 = tpu.memref_slice %arg2[%dma_wait3A_56, %dma_wait3A_57] : memref<32064x5120xf32, #tpu.memory_space<hbm>> -> memref<32064x5120xf32, #tpu.memory_space<hbm>>
    tpu.wait_indirect_dma semaphore(%arg11 : memref<!tpu.dma_semaphore, #tpu.memory_space<semaphore_mem>>) src(%dma_wait3A_58 : memref<32064x5120xf32, #tpu.memory_space<hbm>>) dst(%arg8 : memref<8x5120xf32, #tpu.memory_space<vmem>>)
    %add3A_59 = arith.constant 496 : i32
    %add3A_60 = arith.addi %mul3A_2, %add3A_59 : i32
    %dma_start3A_61 = arith.constant 0 : i32
    %dma_start3A_62 = tpu.memref_slice %arg4[%add3A_60, %dma_start3A_61] : memref<16384x5120xf32, #tpu.memory_space<hbm>> -> memref<8x5120xf32, #tpu.memory_space<hbm>>
    %dma_start3A_63 = arith.constant 0 : i32
    %dma_start3A_64 = tpu.memref_slice %arg4[%add3A_60, %dma_start3A_63] : memref<16384x5120xf32, #tpu.memory_space<hbm>> -> memref<8x5120xf32, #tpu.memory_space<hbm>>
    tpu.enqueue_dma source(%arg8 : memref<8x5120xf32, #tpu.memory_space<vmem>>) target(%dma_start3A_64 : memref<8x5120xf32, #tpu.memory_space<hbm>>) target_semaphore(%arg14 : memref<!tpu.dma_semaphore, #tpu.memory_space<semaphore_mem>>)
    %add3A_65 = arith.constant 488 : i32
    %add3A_66 = arith.addi %mul3A_2, %add3A_65 : i32
    %dma_wait3A_67 = arith.constant 0 : i32
    %dma_wait3A_68 = tpu.memref_slice %arg4[%add3A_66, %dma_wait3A_67] : memref<16384x5120xf32, #tpu.memory_space<hbm>> -> memref<8x5120xf32, #tpu.memory_space<hbm>>
    %dma_wait3A_69 = arith.constant 0 : i32
    %dma_wait3A_70 = tpu.memref_slice %arg4[%add3A_66, %dma_wait3A_69] : memref<16384x5120xf32, #tpu.memory_space<hbm>> -> memref<8x5120xf32, #tpu.memory_space<hbm>>
    tpu.wait_dma2 semaphore(%arg13 : memref<!tpu.dma_semaphore, #tpu.memory_space<semaphore_mem>>) src(%arg7 : memref<8x5120xf32, #tpu.memory_space<vmem>>) dst(%dma_wait3A_70 : memref<8x5120xf32, #tpu.memory_space<hbm>>)
    %dma_wait3A_71 = arith.constant 504 : i32
    %dma_wait3A_72 = tpu.memref_slice %arg5[%dma_wait3A_71] : memref<512xi32, #tpu.memory_space<vmem>> -> memref<8xi32, #tpu.memory_space<vmem>>
    %dma_wait3A_73 = arith.constant 0 : i32
    %dma_wait3A_74 = arith.constant 0 : i32
    %dma_wait3A_75 = tpu.memref_slice %arg2[%dma_wait3A_73, %dma_wait3A_74] : memref<32064x5120xf32, #tpu.memory_space<hbm>> -> memref<32064x5120xf32, #tpu.memory_space<hbm>>
    tpu.wait_indirect_dma semaphore(%arg9 : memref<!tpu.dma_semaphore, #tpu.memory_space<semaphore_mem>>) src(%dma_wait3A_75 : memref<32064x5120xf32, #tpu.memory_space<hbm>>) dst(%arg6 : memref<8x5120xf32, #tpu.memory_space<vmem>>)
    %add3A_76 = arith.constant 504 : i32
    %add3A_77 = arith.addi %mul3A_2, %add3A_76 : i32
    %dma_start3A_78 = arith.constant 0 : i32
    %dma_start3A_79 = tpu.memref_slice %arg4[%add3A_77, %dma_start3A_78] : memref<16384x5120xf32, #tpu.memory_space<hbm>> -> memref<8x5120xf32, #tpu.memory_space<hbm>>
    %dma_start3A_80 = arith.constant 0 : i32
    %dma_start3A_81 = tpu.memref_slice %arg4[%add3A_77, %dma_start3A_80] : memref<16384x5120xf32, #tpu.memory_space<hbm>> -> memref<8x5120xf32, #tpu.memory_space<hbm>>
    tpu.enqueue_dma source(%arg6 : memref<8x5120xf32, #tpu.memory_space<vmem>>) target(%dma_start3A_81 : memref<8x5120xf32, #tpu.memory_space<hbm>>) target_semaphore(%arg12 : memref<!tpu.dma_semaphore, #tpu.memory_space<semaphore_mem>>)
    %add3A_82 = arith.constant 496 : i32
    %add3A_83 = arith.addi %mul3A_2, %add3A_82 : i32
    %dma_wait3A_84 = arith.constant 0 : i32
    %dma_wait3A_85 = tpu.memref_slice %arg4[%add3A_83, %dma_wait3A_84] : memref<16384x5120xf32, #tpu.memory_space<hbm>> -> memref<8x5120xf32, #tpu.memory_space<hbm>>
    %dma_wait3A_86 = arith.constant 0 : i32
    %dma_wait3A_87 = tpu.memref_slice %arg4[%add3A_83, %dma_wait3A_86] : memref<16384x5120xf32, #tpu.memory_space<hbm>> -> memref<8x5120xf32, #tpu.memory_space<hbm>>
    tpu.wait_dma2 semaphore(%arg14 : memref<!tpu.dma_semaphore, #tpu.memory_space<semaphore_mem>>) src(%arg8 : memref<8x5120xf32, #tpu.memory_space<vmem>>) dst(%dma_wait3A_87 : memref<8x5120xf32, #tpu.memory_space<hbm>>)
    %add3A_88 = arith.constant 504 : i32
    %add3A_89 = arith.addi %mul3A_2, %add3A_88 : i32
    %dma_wait3A_90 = arith.constant 0 : i32
    %dma_wait3A_91 = tpu.memref_slice %arg4[%add3A_89, %dma_wait3A_90] : memref<16384x5120xf32, #tpu.memory_space<hbm>> -> memref<8x5120xf32, #tpu.memory_space<hbm>>
    %dma_wait3A_92 = arith.constant 0 : i32
    %dma_wait3A_93 = tpu.memref_slice %arg4[%add3A_89, %dma_wait3A_92] : memref<16384x5120xf32, #tpu.memory_space<hbm>> -> memref<8x5120xf32, #tpu.memory_space<hbm>>
    tpu.wait_dma2 semaphore(%arg12 : memref<!tpu.dma_semaphore, #tpu.memory_space<semaphore_mem>>) src(%arg6 : memref<8x5120xf32, #tpu.memory_space<vmem>>) dst(%dma_wait3A_93 : memref<8x5120xf32, #tpu.memory_space<hbm>>)
    return
  }
}

</mosaic_0001>

<sc_bundles>
// kernel: kernel.3.cloned.1.call-start
scs
__scs_entry_jumppad:
0x0: {  	(pc) =	sbr.rel $0x88, $3  }
0x1: {  	(tag) =	ssettag $0x0;
	lr =	simm.s32 $0x1  }
0x2: {  	[smem:$0x3F9F] =	sst lr;
	_ =	strace $0xD0000000  }
0x3: {  	_ = 	snop  }
0x4: {  	_ = 	snop  }
0x5: {  	_ = 	snop  }
0x6: {  	_ = 	snop  }
0x7: {  	_ = 	snop  }
__scs_overlays_trampoline_lowered:
0x8: {  	[smem:$0x3FAE] =	sst s0  }
0x9: {  	[smem:$0x3FAF] =	sst s1  }
0xa: {  	[smem:$0x3FB0] =	sst s2  }
0xb: {  	[smem:$0x3FB1] =	sst s3  }
0xc: {  	[smem:$0x3FB2] =	sst s4  }
0xd: {  	[smem:$0x3FB3] =	sst s5  }
0xe: {  	[smem:$0x3FB4] =	sst s6  }
0xf: {  	[smem:$0x3FB5] =	sst s7  }
0x10: {  	[smem:$0x3FB6] =	sst s8  }
0x11: {  	[smem:$0x3FB7] =	sst s9;
	s0 =	simm.s32 @!p0 $0x0  }
0x12: {  	s1 =	sld [smem:$0x3F9D];
	s0 =	simm.s32 @p0 $0x1  }
0x13: {  	[smem:$0x3FB8] =	sst s0;
	s0 =	simm.s32 @!p1 $0x0  }
0x14: {  	s2 =	sld [smem:$0x3F9C];
	s0 =	simm.s32 @p1 $0x1  }
0x15: {  	[smem:$0x3FB9] =	sst s0;
	s0 =	simm.s32 @!p2 $0x0  }
0x16: {  	s3 =	sld [smem:$0x3FDB];
	s0 =	simm.s32 @p2 $0x1  }
0x17: {  	s4 =	simm.s32 $0x1BF5;
	[smem:$0x3FBB] =	sst s0  }
0x18: {  	s0 =	sld [smem:$0x3F9E];
	_ =	swait.ge [sflag:s4], $0x0  }
0x19: {  	s7 =	sld [smem:$0x3F9F]  }
0x1a: {  	s8 =	sadd.s32 $0xFFFFE003, lr  }
0x1b: {  	s9 =	sadd.s32 $0xFFFFFEF7, lr;
	s5 =	simm.s32 $0xFFFFFFFF;
	p2 =	slt.u32 s8, $0xFFFFF086  }
0x1c: {  	p1 =	slt.u32 s9, $0xF7A;
	s5 =	simm.s32 @!p2 $0x0  }
0x1d: {  	s5 =	simm.s32 @p1 $0x1;
	p0 =	seq.s32 s7, s2  }
0x1e: {  	s7 =	smul.u32 @!p0 $0xF7A, s2;
	p2 =	seq.s32 @!p0 s5, $0x0  }
0x1f: {  	s9 =	smul.u32 $0xF7A, s1;
	s8 =	simm.s32 @!p0 $0x1BF5;
	p2 =	por !p2, p0  }
0x20: {  	[sflag:s8] =	ssyncset.s32 @!p0 $0xFFFFF086;
	s6 =	sadd.s32 @!p0 s3, s7;
	s7 =	simm.s32 @!p0 $0x108  }
0x21: {  	s3 =	sadd.s32 s3, s9;
	s6 =	sadd.s32 @!p0 $0x88, s6;
	s7 =	simm.s32 @p2 $0x1082  }
0x22: {  	[simem:s7], [sflag:s8] =	dma.local @!p0 [hbm:s6], $0xF7A  }
0x23: {  	s9 =	sor.u32 $0xD0000000, s2;
	s6 =	simm.s32 $0x108;
	_ =	swait.ge @!p0 [sflag:s8], $0x0  }
0x24: {  	s3 =	sadd.s32 $0x88, s3;
	s6 =	simm.s32 @!p1 $0x1082;
	[sflag:s4] =	ssyncset.s32 $0xFFFFF086  }
0x25: {  	[simem:s6], [sflag:s4] =	dma.local [hbm:s3], $0xF7A  }
0x26: {  	[smem:$0x3F9F] =	sst s1;
	(tag) =	ssettag s2;
	_ =	strace s9  }
0x27: {  	s1 =	sld [smem:$0x3FAF]  }
0x28: {  	s2 =	sld [smem:$0x3FB0]  }
0x29: {  	s4 =	sld [smem:$0x3FB2]  }
0x2a: {  	p0 =	seq.s32 s5, $0x0;
	s5 =	sld [smem:$0x3FB3]  }
0x2b: {  	s6 =	sld [smem:$0x3FB4]  }
0x2c: {  	s7 =	sld [smem:$0x3FB5]  }
0x2d: {  	s3 =	simm.s32 $0x108;
	s8 =	sld [smem:$0x3FB6]  }
0x2e: {  	s3 =	simm.s32 @!p0 $0x1082;
	s9 =	sld [smem:$0x3FB7]  }
0x2f: {  	lr =	sadd.s32 s0, s3;
	s0 =	sld [smem:$0x3FAE]  }
0x30: {  	s3 =	sld [smem:$0x3FB1]  }
0x31: {  	[smem:$0x3FBA] =	sst s10  }
0x32: {  	s10 =	sld [smem:$0x3FB8];
	_ =	sdelay $0x3  }
0x33: {  	p0 =	seq.s32 s10, $0x1;
	s10 =	sld [smem:$0x3FBA];
	_ =	sdelay $0x3  }
0x34: {  	[smem:$0x3FBA] =	sst s10  }
0x35: {  	s10 =	sld [smem:$0x3FB9];
	_ =	sdelay $0x3  }
0x36: {  	p1 =	seq.s32 s10, $0x1;
	s10 =	sld [smem:$0x3FBA];
	_ =	sdelay $0x3  }
0x37: {  	[smem:$0x3FBA] =	sst s10  }
0x38: {  	s10 =	sld [smem:$0x3FBB]  }
0x39: {  	_ = 	snop;
	(pc) =	sbr.ind lr, $3  }
0x3a: {  	_ = 	snop  }
0x3b: {  	_ = 	snop  }
0x3c: {  	p2 =	seq.s32 s10, $0x1;
	s10 =	sld [smem:$0x3FBA]  }
0x3d: {  	_ =	shalt  }
0x3e: {  	_ =	shalt  }
0x3f: {  	_ =	shalt  }
0x40: {  	_ =	shalt  }
0x41: {  	_ =	shalt  }
0x42: {  	_ =	shalt  }
0x43: {  	_ =	shalt  }
0x44: {  	_ =	shalt  }
0x45: {  	_ =	shalt  }
0x46: {  	_ =	shalt  }
0x47: {  	_ =	shalt  }
0x48: {  	_ =	shalt  }
0x49: {  	_ =	shalt  }
0x4a: {  	_ =	shalt  }
0x4b: {  	_ =	shalt  }
0x4c: {  	_ =	shalt  }
0x4d: {  	_ =	shalt  }
0x4e: {  	_ =	shalt  }
0x4f: {  	_ =	shalt  }
0x50: {  	_ =	shalt  }
0x51: {  	_ =	shalt  }
0x52: {  	_ =	shalt  }
0x53: {  	_ =	shalt  }
0x54: {  	_ =	shalt  }
0x55: {  	_ =	shalt  }
0x56: {  	_ =	shalt  }
0x57: {  	_ =	shalt  }
0x58: {  	_ =	shalt  }
0x59: {  	_ =	shalt  }
0x5a: {  	_ =	shalt  }
0x5b: {  	_ =	shalt  }
0x5c: {  	_ =	shalt  }
0x5d: {  	_ =	shalt  }
0x5e: {  	_ =	shalt  }
0x5f: {  	_ =	shalt  }
0x60: {  	_ =	shalt  }
0x61: {  	_ =	shalt  }
0x62: {  	_ =	shalt  }
0x63: {  	_ =	shalt  }
0x64: {  	_ =	shalt  }
0x65: {  	_ =	shalt  }
0x66: {  	_ =	shalt  }
0x67: {  	_ =	shalt  }
0x68: {  	_ =	shalt  }
0x69: {  	_ =	shalt  }
0x6a: {  	_ =	shalt  }
0x6b: {  	_ =	shalt  }
0x6c: {  	_ =	shalt  }
0x6d: {  	_ =	shalt  }
0x6e: {  	_ =	shalt  }
0x6f: {  	_ =	shalt  }
0x70: {  	_ =	shalt  }
0x71: {  	_ =	shalt  }
0x72: {  	_ =	shalt  }
0x73: {  	_ =	shalt  }
0x74: {  	_ =	shalt  }
0x75: {  	_ =	shalt  }
0x76: {  	_ =	shalt  }
0x77: {  	_ =	shalt  }
0x78: {  	_ =	shalt  }
0x79: {  	_ =	shalt  }
0x7a: {  	_ =	shalt  }
0x7b: {  	_ =	shalt  }
0x7c: {  	_ =	shalt  }
0x7d: {  	_ =	shalt  }
0x7e: {  	_ =	shalt  }
0x7f: {  	_ =	shalt  }
0x80: {  	_ =	shalt  }
0x81: {  	_ =	shalt  }
0x82: {  	_ =	shalt  }
0x83: {  	_ =	shalt  }
0x84: {  	_ =	shalt  }
0x85: {  	_ =	shalt  }
0x86: {  	_ =	shalt  }
0x87: {  	_ =	shalt  }
.Lfunc_end0:
.L_simem_size_0:
called_computation_lowered:
.L_overlay_start_0:
0x88: {  	s2 =	sld [smem:$0x3FD9]  }
0x89: {  	s3 =	sld [smem:$0x3FFE];
	_ =	sdelay $0x1  }
0x8a: {  	s1 =	srdreg.scid  }
0x8b: {  	s0 =	sand.u32 $0x1, s1  }
0x8c: {  	s17 =	sshll.u32 s0, $0xA;
	s2 =	sadd.s32 s3, s2  }
0x8d: {  	s2 =	sadd.s32 s2, s17  }
0x8e: {  	[smem:$0x3FC6] =	sst s2  }
0x8f: {  	_ = 	snop  }
0x90: {  	s2 =	sld [smem:$0x3FC8]  }
0x91: {  	s18 =	sld [smem:$0x3FD0];
	(tm) =	ssettm $0x1  }
0x92: {  	s4 =	sld [smem:$0x3FFB];
	_ =	sdelay $0x3  }
0x93: {  	_ =	strace s4  }
0x94: {  	s4 =	sld [smem:$0x3FFC];
	_ =	sdelay $0x3  }
0x95: {  	_ =	strace s4  }
0x96: {  	s4 =	sld [smem:$0x3FFD];
	_ =	sdelay $0x3  }
0x97: {  	_ =	strace s4  }
0x98: {  	_ =	strace $0x8FFFFFFF  }
0x99: {  	s19 =	sld [smem:$0x3FDB];
	_ =	sdelay $0x1  }
0x9a: {  	s5 =	simm.s32 $_scs_section_size  }
0x9b: {  	s6 =	simm.s32 $_size__tile_overlayer_lowered;
	s7 =	simm.s32 $_tile_overlayer_lowered  }
0x9c: {  	s22 =	simm.s32 $0x1BFF;
	s21 =	sshll.u32 s7, $0x1;
	s4 =	sadd.s32 s5, s19  }
0x9d: {  	s8 =	simm.s32 $0x0;
	s20 =	sshll.u32 s6, $0x1;
	s6 =	sadd.s32 s21, s4  }
0x9e: {  	[timem:s8], [sflag:s22] =	dma.local [hbm:s6], s20  }
0x9f: {  	_ =	swait.ge [sflag:s22], s20  }
0xa0: {  	s5 =	ssub.s32 $0x0, s20;
	[sflag:s22] =	ssyncset.done $0x0  }
0xa1: {  	[sflag:s22] =	ssyncadd.s32 s5;
	_ =	sdelay $0x1  }
0xa2: {  	s23 =	simm.s32 $0x1B8B  }
0xa3: {  	_ =	swait.ge [sflag:s23], $0x1  }
0xa4: {  	[sflag:s23] =	ssyncset.done $0x0  }
0xa5: {  	s25 =	simm.s32 $0x1B8E;
	s24 =	sld [smem:$0x3FFE];
	[sflag:s23] =	ssyncadd.s32 $0xFFFFFFFF  }
0xa6: {  	s26 =	simm.s32 $execute0_lowered;
	[smem:$0x3FD2] =	sst s25  }
0xa7: {  	s6 =	sshll.u32 s26, $0x1;
	_ =	strace $0x80000046;
	[dreg:$0x1] =	wrdreg $0xFFFFFFFF  }
0xa8: {  	s28 =	simm.s32 $_size_execute0_lowered;
	s4 =	sadd.s32 s4, s6;
	[dreg:$0x0] =	wrdreg $0x0  }
0xa9: {  	s6 =	sshll.u32 s28, $0x1;
	[dreg:$0x2] =	wrdreg s4  }
0xaa: {  	[dreg:$0x3] =	wrdreg s6  }
0xab: {  	[dreg:$0x4] =	wrdreg $0xC0  }
0xac: {  	_ =	task [dreg:s8], $0x5FFFF  }
0xad: {  	[dreg:$0x1] =	wrdreg $0xFFFFFFFF  }
0xae: {  	[dreg:$0x0] =	wrdreg $0x60  }
0xaf: {  	[dreg:$0x2] =	wrdreg s2  }
0xb0: {  	[dreg:$0x3] =	wrdreg s24  }
0xb1: {  	[dreg:$0x4] =	wrdreg s18  }
0xb2: {  	[dreg:$0x5] =	wrdreg $0x9  }
0xb3: {  	_ =	task.clear_ibuf [dreg:s8], $0x6FFFF;
	_ =	strace $0x90000046  }
0xb4: {  	s29 =	simm.s32 $0x9;
	_ =	strace $0x80000048  }
0xb5: {  	_ =	swait.ge [sflag:s29], $0x1  }
0xb6: {  	[sflag:s29] =	ssyncadd.s32 $0xFFFFFFFF  }
0xb7: {  	_ =	strace $0x90000048  }
0xb8: {  	_ =	sfence  }
0xb9: {  	s30 =	sld [smem:$0x0];
	_ =	sdelay $0x2  }
0xba: {  	s31 =	sshll.u32 s1, $0xD;
	s1 =	sshrl.u32 s1, $0x2  }
0xbb: {  	s3 =	sand.u32 $0x4000, s31;
	s1 =	sadd.s32 s1, s30  }
0xbc: {  	s0 =	sor.u32 s3, s0;
	s1 =	sshll.u32 s1, $0x11  }
0xbd: {  	s0 =	sor.u32 s1, s0  }
0xbe: {  	s0 =	sadd.s32 $0x8F2B, s0  }
0xbf: {  	[sflag:s0] =	ssyncadd.remote.s32 $0x1  }
0xc0: {  	_ =	sfence.sel $0xFFFF  }
0xc1: {  	[dreg:$0x0] =	wrdreg $0xFFFFFFFF;
	(pc) =	sbr.abs _section_cstart, $3  }
0xc2: {  	[dreg:$0x1] =	wrdreg $0xFFFFFFFF  }
0xc3: {  	_ =	task.clear_ibuf [dreg:s8], $0x2FFFF;
	_ =	strace $0x9FFFFFFF  }
0xc4: {  	(tm) =	ssettm $0x7FFFFFFF  }
0xc5: {  	_ =	shalt  }
tec
execute0_lowered:
.L_overlay_start_1:
0x0: {  	(tag) =	ssettag $0x1  }
0x1: {  	s1 =	rddreg [dreg:$0x0]  }
0x2: {  	s0 =	srdreg.scid;
	s2 =	rddreg [dreg:$0x1]  }
0x3: {  	s3 =	stileid.u32;
	s4 =	rddreg [dreg:$0x2]  }
0x4: {  	s29 =	simm.s32 $0x1200;
	s31 =	simm.s32 $0x1A00;
	s30 =	simm.s32 $0x14200  }
0x5: {  	s0 =	sand.u32 $0x1, s0;
	s3 =	sshll.u32 s3, $0xA;
	s6 =	sadd.s32 $0x200, s1  }
0x6: {  	s7 =	sadd.s32 $0x300, s1;
	s8 =	sadd.s32 $0x400, s1;
	s9 =	sadd.s32 $0x500, s1  }
0x7: {  	s10 =	sadd.s32 $0x600, s1;
	s11 =	sadd.s32 $0x700, s1;
	s12 =	sadd.s32 $0x800, s1  }
0x8: {  	s13 =	sadd.s32 $0x900, s1;
	s14 =	sadd.s32 $0xA00, s1;
	s15 =	sadd.s32 $0xB00, s1  }
0x9: {  	s16 =	sadd.s32 $0xC00, s1;
	s28 =	sadd.s32 $0x1300, s1;
	s5 =	sshll.u32 s0, $0x9  }
0xa: {  	s0 =	ssub.s32 $0x2, s0;
	s19 =	sor.u32 s5, s3;
	s3 =	simm.s32 $0x0  }
0xb: {  	s17 =	sshrl.u32 s0, $0x1;
	s5 =	sadd.s32 $0x100, s1;
	s20 =	sshrl.u32 s19, $0x3  }
0xc: {  	[smem:$0x7FF] =	sst s3;
	s0 =	ssub.s32 s0, s17;
	s18 =	sor.u32 $0x20, s19  }
0xd: {  	s17 =	sor.u32 $0x18, s19;
	s19 =	sor.u32 $0x10, s19;
	s2 =	sadd.s32 s20, s2  }
0xe: {  	_ =	strace $0x80000047;
	s21 =	smul.u32 $0x1400, s20;
	s22 =	sshrl.u32 s17, $0x3  }
0xf: {  	s17 =	sadd.s32 $0xD00, s1;
	s23 =	smul.u32 $0xA000, s20;
	s24 =	sshrl.u32 s19, $0x3  }
0x10: {  	s19 =	sadd.s32 $0xF00, s1;
	s20 =	sadd.s32 $0x1000, s1;
	s0 =	smax.u32 s0, $0x1  }
0x11: {  	s2 =	sadd.s32 $0x400, s2;
	s22 =	smul.u32 $0x1400, s22;
	[dreg:$0xb] =	wrdreg s0  }
0x12: {  	s25 =	smul.u32 $0x1400, s24;
	[dreg:$0x7] =	wrdreg s2;
	s2 =	sshrl.u32 s18, $0x3  }
0x13: {  	s24 =	sadd.s32 s4, s21;
	s26 =	sshrl.u32 s23, $0x3;
	s2 =	smul.u32 $0x1400, s2  }
0x14: {  	s22 =	sadd.s32 s22, s4;
	s21 =	sadd.s32 s4, s26;
	[dreg:$0x8] =	wrdreg s24  }
0x15: {  	s18 =	sadd.s32 $0xE00, s1;
	[dreg:$0x5] =	wrdreg s22;
	s23 =	sadd.s32 $0x4EC00, s21  }
0x16: {  	s26 =	sadd.s32 $0x1200, s1;
	s2 =	sadd.s32 s2, s4;
	[dreg:$0xa] =	wrdreg s23  }
0x17: {  	s22 =	sadd.s32 $0x1100, s1;
	[dreg:$0x4] =	wrdreg s2;
	s2 =	sadd.s32 s25, s4  }
0x18: {  	v0 =	vlaneseq.u32;
	s4 =	sadd.s32 $0x4D800, s21;
	s25 =	sadd.s32 $0x1400, s24;
	[dreg:$0x6] =	wrdreg s2  }
0x19: {  	v1 =	vshrl.u32 v0, $0x3;
	s24 =	simm.s32 $0xA00;
	s21 =	simm.s32 $0x5;
	[dreg:$0x9] =	wrdreg s4  }
0x1a: {  	vm0 =	vmmov $0xffff;
	v0 =	vand.u32 $0x7, v0;
	v1 =	vmul.u32 $0x8, v1;
	[dreg:$0xc] =	wrdreg s25;
	s25 =	simm.s32 $0x1B200;
	s4 =	simm.s32 $0x0  }
.LBB2_1:
0x1b: {  	[dreg:$0xd] =	wrdreg s4  }
0x1c: {  	s0 =	rddreg [dreg:$0x7];
	s23 =	simm.s32 $0x7  }
0x1d: {  	[tilespmem:s3], [sflag:$0x7] =	stream.linear.gather [hbm4b:s0+s3], $0x200, $0x38;
	[tilespmem:$0x1E200] =	vst v63  }
0x1e: {  	_ =	swait.ge [sflag:s23], $0x200  }
0x1f: {  	[sflag:s23] =	ssyncset.done $0x0  }
0x20: {  	[sflag:s23] =	ssyncadd.s32 $0xFFFFFE00  }
0x21: {  	v2 =	vld.msk [tilespmem:$0x0], $0xff;
	_ =	sdelay $0x4  }
0x22: {  	v3 =	vshrl.u32 v2, $0x3  }
0x23: {  	v3 =	vmul.u32 $0x140, v3  }
0x24: {  	v2 =	vand.u32 $0x7, v2  }
0x25: {  	v2 =	vor.u32 v2, v3  }
0x26: {  	v2 =	vperm.xlane v2, v0;
	_ =	sdelay $0x1  }
0x27: {  	v2 =	vadd.s32 v1, v2;
	_ =	sdelay $0x3  }
0x28: {  	s2 =	simm.s32 $0x200  }
0x29: {  	[tilespmem:s2], [sflag:$0x1] =	stream.indirect_vreg.gather [hbm4b:s1+s3], $0x80, v2, vm0, $0xb8;
	[tilespmem:$0x1E200] =	vst v63  }
0x2a: {  	_ = 	snop  }
0x2b: {  	[tilespmem:s24], [sflag:$0x1] =	stream.indirect_vreg.gather [hbm4b:s5+s3], $0x80, v2, vm0, $0xb8;
	[tilespmem:$0x1E200] =	vst v63  }
0x2c: {  	_ = 	snop  }
0x2d: {  	[tilespmem:s29], [sflag:$0x1] =	stream.indirect_vreg.gather [hbm4b:s6+s3], $0x80, v2, vm0, $0xb8;
	[tilespmem:$0x1E200] =	vst v63  }
0x2e: {  	_ = 	snop  }
0x2f: {  	[tilespmem:s31], [sflag:$0x1] =	stream.indirect_vreg.gather [hbm4b:s7+s3], $0x80, v2, vm0, $0xb8;
	[tilespmem:$0x1E200] =	vst v63  }
0x30: {  	s23 =	simm.s32 $0x2200  }
0x31: {  	[tilespmem:s23], [sflag:$0x1] =	stream.indirect_vreg.gather [hbm4b:s8+s3], $0x80, v2, vm0, $0xb8;
	[tilespmem:$0x1E200] =	vst v63  }
0x32: {  	s23 =	simm.s32 $0x2A00  }
0x33: {  	[tilespmem:s23], [sflag:$0x1] =	stream.indirect_vreg.gather [hbm4b:s9+s3], $0x80, v2, vm0, $0xb8;
	[tilespmem:$0x1E200] =	vst v63  }
0x34: {  	s23 =	simm.s32 $0x3200  }
0x35: {  	[tilespmem:s23], [sflag:$0x1] =	stream.indirect_vreg.gather [hbm4b:s10+s3], $0x80, v2, vm0, $0xb8;
	[tilespmem:$0x1E200] =	vst v63  }
0x36: {  	s23 =	simm.s32 $0x3A00  }
0x37: {  	[tilespmem:s23], [sflag:$0x1] =	stream.indirect_vreg.gather [hbm4b:s11+s3], $0x80, v2, vm0, $0xb8;
	[tilespmem:$0x1E200] =	vst v63  }
0x38: {  	s23 =	simm.s32 $0x4200  }
0x39: {  	[tilespmem:s23], [sflag:$0x1] =	stream.indirect_vreg.gather [hbm4b:s12+s3], $0x80, v2, vm0, $0xb8;
	[tilespmem:$0x1E200] =	vst v63  }
0x3a: {  	s23 =	simm.s32 $0x4A00  }
0x3b: {  	[tilespmem:s23], [sflag:$0x1] =	stream.indirect_vreg.gather [hbm4b:s13+s3], $0x80, v2, vm0, $0xb8;
	[tilespmem:$0x1E200] =	vst v63  }
0x3c: {  	s23 =	simm.s32 $0x5200  }
0x3d: {  	[tilespmem:s23], [sflag:$0x1] =	stream.indirect_vreg.gather [hbm4b:s14+s3], $0x80, v2, vm0, $0xb8;
	[tilespmem:$0x1E200] =	vst v63  }
0x3e: {  	s23 =	simm.s32 $0x5A00  }
0x3f: {  	[tilespmem:s23], [sflag:$0x1] =	stream.indirect_vreg.gather [hbm4b:s15+s3], $0x80, v2, vm0, $0xb8;
	[tilespmem:$0x1E200] =	vst v63  }
0x40: {  	s23 =	simm.s32 $0x6200  }
0x41: {  	[tilespmem:s23], [sflag:$0x1] =	stream.indirect_vreg.gather [hbm4b:s16+s3], $0x80, v2, vm0, $0xb8;
	[tilespmem:$0x1E200] =	vst v63  }
0x42: {  	s23 =	simm.s32 $0x6A00  }
0x43: {  	[tilespmem:s23], [sflag:$0x1] =	stream.indirect_vreg.gather [hbm4b:s17+s3], $0x80, v2, vm0, $0xb8;
	[tilespmem:$0x1E200] =	vst v63  }
0x44: {  	s23 =	simm.s32 $0x7200  }
0x45: {  	[tilespmem:s23], [sflag:$0x1] =	stream.indirect_vreg.gather [hbm4b:s18+s3], $0x80, v2, vm0, $0xb8;
	[tilespmem:$0x1E200] =	vst v63  }
0x46: {  	s23 =	simm.s32 $0x7A00  }
0x47: {  	[tilespmem:s23], [sflag:$0x1] =	stream.indirect_vreg.gather [hbm4b:s19+s3], $0x80, v2, vm0, $0xb8;
	[tilespmem:$0x1E200] =	vst v63  }
0x48: {  	s23 =	simm.s32 $0x8200  }
0x49: {  	[tilespmem:s23], [sflag:$0x1] =	stream.indirect_vreg.gather [hbm4b:s20+s3], $0x80, v2, vm0, $0xb8;
	[tilespmem:$0x1E200] =	vst v63  }
0x4a: {  	s23 =	simm.s32 $0x8A00  }
0x4b: {  	[tilespmem:s23], [sflag:$0x1] =	stream.indirect_vreg.gather [hbm4b:s22+s3], $0x80, v2, vm0, $0xb8;
	[tilespmem:$0x1E200] =	vst v63  }
0x4c: {  	s23 =	simm.s32 $0x9200  }
0x4d: {  	[tilespmem:s23], [sflag:$0x1] =	stream.indirect_vreg.gather [hbm4b:s26+s3], $0x80, v2, vm0, $0xb8;
	[tilespmem:$0x1E200] =	vst v63  }
0x4e: {  	s23 =	simm.s32 $0x9A00  }
0x4f: {  	[tilespmem:s23], [sflag:$0x1] =	stream.indirect_vreg.gather [hbm4b:s28+s3], $0x80, v2, vm0, $0xb8;
	[tilespmem:$0x1E200] =	vst v63  }
0x50: {  	v2 =	vld.msk [tilespmem:$0x8], $0xff;
	_ =	sdelay $0x4  }
0x51: {  	v3 =	vshrl.u32 v2, $0x3  }
0x52: {  	v3 =	vmul.u32 $0x140, v3  }
0x53: {  	v2 =	vand.u32 $0x7, v2  }
0x54: {  	v2 =	vor.u32 v2, v3  }
0x55: {  	v2 =	vperm.xlane v2, v0;
	_ =	sdelay $0x1  }
0x56: {  	v2 =	vadd.s32 v1, v2;
	_ =	sdelay $0x3  }
0x57: {  	s23 =	simm.s32 $0xA200  }
0x58: {  	[tilespmem:s23], [sflag:$0x2] =	stream.indirect_vreg.gather [hbm4b:s1+s3], $0x80, v2, vm0, $0xb8;
	[tilespmem:$0x1E200] =	vst v63  }
0x59: {  	s0 =	simm.s32 $0xAA00  }
0x5a: {  	[tilespmem:s0], [sflag:$0x2] =	stream.indirect_vreg.gather [hbm4b:s5+s3], $0x80, v2, vm0, $0xb8;
	[tilespmem:$0x1E200] =	vst v63  }
0x5b: {  	s0 =	simm.s32 $0xB200  }
0x5c: {  	[tilespmem:s0], [sflag:$0x2] =	stream.indirect_vreg.gather [hbm4b:s6+s3], $0x80, v2, vm0, $0xb8;
	[tilespmem:$0x1E200] =	vst v63  }
0x5d: {  	s0 =	simm.s32 $0xBA00  }
0x5e: {  	[tilespmem:s0], [sflag:$0x2] =	stream.indirect_vreg.gather [hbm4b:s7+s3], $0x80, v2, vm0, $0xb8;
	[tilespmem:$0x1E200] =	vst v63  }
0x5f: {  	s0 =	simm.s32 $0xC200  }
0x60: {  	[tilespmem:s0], [sflag:$0x2] =	stream.indirect_vreg.gather [hbm4b:s8+s3], $0x80, v2, vm0, $0xb8;
	[tilespmem:$0x1E200] =	vst v63  }
0x61: {  	s0 =	simm.s32 $0xCA00  }
0x62: {  	[tilespmem:s0], [sflag:$0x2] =	stream.indirect_vreg.gather [hbm4b:s9+s3], $0x80, v2, vm0, $0xb8;
	[tilespmem:$0x1E200] =	vst v63  }
0x63: {  	s0 =	simm.s32 $0xD200  }
0x64: {  	[tilespmem:s0], [sflag:$0x2] =	stream.indirect_vreg.gather [hbm4b:s10+s3], $0x80, v2, vm0, $0xb8;
	[tilespmem:$0x1E200] =	vst v63  }
0x65: {  	s0 =	simm.s32 $0xDA00  }
0x66: {  	[tilespmem:s0], [sflag:$0x2] =	stream.indirect_vreg.gather [hbm4b:s11+s3], $0x80, v2, vm0, $0xb8;
	[tilespmem:$0x1E200] =	vst v63  }
0x67: {  	s0 =	simm.s32 $0xE200  }
0x68: {  	[tilespmem:s0], [sflag:$0x2] =	stream.indirect_vreg.gather [hbm4b:s12+s3], $0x80, v2, vm0, $0xb8;
	[tilespmem:$0x1E200] =	vst v63  }
0x69: {  	s0 =	simm.s32 $0xEA00  }
0x6a: {  	[tilespmem:s0], [sflag:$0x2] =	stream.indirect_vreg.gather [hbm4b:s13+s3], $0x80, v2, vm0, $0xb8;
	[tilespmem:$0x1E200] =	vst v63  }
0x6b: {  	s0 =	simm.s32 $0xF200  }
0x6c: {  	[tilespmem:s0], [sflag:$0x2] =	stream.indirect_vreg.gather [hbm4b:s14+s3], $0x80, v2, vm0, $0xb8;
	[tilespmem:$0x1E200] =	vst v63  }
0x6d: {  	s0 =	simm.s32 $0xFA00  }
0x6e: {  	[tilespmem:s0], [sflag:$0x2] =	stream.indirect_vreg.gather [hbm4b:s15+s3], $0x80, v2, vm0, $0xb8;
	[tilespmem:$0x1E200] =	vst v63  }
0x6f: {  	s0 =	simm.s32 $0x10200  }
0x70: {  	[tilespmem:s0], [sflag:$0x2] =	stream.indirect_vreg.gather [hbm4b:s16+s3], $0x80, v2, vm0, $0xb8;
	[tilespmem:$0x1E200] =	vst v63  }
0x71: {  	s0 =	simm.s32 $0x10A00  }
0x72: {  	[tilespmem:s0], [sflag:$0x2] =	stream.indirect_vreg.gather [hbm4b:s17+s3], $0x80, v2, vm0, $0xb8;
	[tilespmem:$0x1E200] =	vst v63  }
0x73: {  	s0 =	simm.s32 $0x11200  }
0x74: {  	[tilespmem:s0], [sflag:$0x2] =	stream.indirect_vreg.gather [hbm4b:s18+s3], $0x80, v2, vm0, $0xb8;
	[tilespmem:$0x1E200] =	vst v63  }
0x75: {  	s0 =	simm.s32 $0x11A00  }
0x76: {  	[tilespmem:s0], [sflag:$0x2] =	stream.indirect_vreg.gather [hbm4b:s19+s3], $0x80, v2, vm0, $0xb8;
	[tilespmem:$0x1E200] =	vst v63  }
0x77: {  	s0 =	simm.s32 $0x12200  }
0x78: {  	[tilespmem:s0], [sflag:$0x2] =	stream.indirect_vreg.gather [hbm4b:s20+s3], $0x80, v2, vm0, $0xb8;
	[tilespmem:$0x1E200] =	vst v63  }
0x79: {  	s0 =	simm.s32 $0x12A00  }
0x7a: {  	[tilespmem:s0], [sflag:$0x2] =	stream.indirect_vreg.gather [hbm4b:s22+s3], $0x80, v2, vm0, $0xb8;
	[tilespmem:$0x1E200] =	vst v63  }
0x7b: {  	s0 =	simm.s32 $0x13200  }
0x7c: {  	[tilespmem:s0], [sflag:$0x2] =	stream.indirect_vreg.gather [hbm4b:s26+s3], $0x80, v2, vm0, $0xb8;
	[tilespmem:$0x1E200] =	vst v63  }
0x7d: {  	s0 =	simm.s32 $0x13A00  }
0x7e: {  	[tilespmem:s0], [sflag:$0x2] =	stream.indirect_vreg.gather [hbm4b:s28+s3], $0x80, v2, vm0, $0xb8;
	[tilespmem:$0x1E200] =	vst v63  }
0x7f: {  	s0 =	simm.s32 $0x1  }
0x80: {  	_ =	swait.ge [sflag:s0], $0xA000  }
0x81: {  	[sflag:s0] =	ssyncset.done $0x0  }
0x82: {  	s2 =	simm.s32 $0x200;
	[sflag:s0] =	ssyncadd.s32 $0xFFFF6000;
	s0 =	rddreg [dreg:$0x8]  }
0x83: {  	[hbm4b:s0+s3] =	stream.linear.scatter [tilespmem:s2], [sflag:$0x4], $0xA000, $0x38;
	[tilespmem:$0x1E200] =	vst v63  }
0x84: {  	v2 =	vld.msk [tilespmem:$0x10], $0xff;
	_ =	sdelay $0x4  }
0x85: {  	v3 =	vshrl.u32 v2, $0x3  }
0x86: {  	v3 =	vmul.u32 $0x140, v3  }
0x87: {  	v2 =	vand.u32 $0x7, v2  }
0x88: {  	v2 =	vor.u32 v2, v3  }
0x89: {  	v2 =	vperm.xlane v2, v0;
	_ =	sdelay $0x1  }
0x8a: {  	v2 =	vadd.s32 v1, v2;
	_ =	sdelay $0x4  }
0x8b: {  	[tilespmem:s30], [sflag:$0x3] =	stream.indirect_vreg.gather [hbm4b:s1+s3], $0x80, v2, vm0, $0xb8;
	[tilespmem:$0x1E200] =	vst v63  }
0x8c: {  	s30 =	simm.s32 $0x14A00  }
0x8d: {  	[tilespmem:s30], [sflag:$0x3] =	stream.indirect_vreg.gather [hbm4b:s5+s3], $0x80, v2, vm0, $0xb8;
	[tilespmem:$0x1E200] =	vst v63  }
0x8e: {  	s30 =	simm.s32 $0x15200  }
0x8f: {  	[tilespmem:s30], [sflag:$0x3] =	stream.indirect_vreg.gather [hbm4b:s6+s3], $0x80, v2, vm0, $0xb8;
	[tilespmem:$0x1E200] =	vst v63  }
0x90: {  	s30 =	simm.s32 $0x15A00  }
0x91: {  	[tilespmem:s30], [sflag:$0x3] =	stream.indirect_vreg.gather [hbm4b:s7+s3], $0x80, v2, vm0, $0xb8;
	[tilespmem:$0x1E200] =	vst v63  }
0x92: {  	s30 =	simm.s32 $0x16200  }
0x93: {  	[tilespmem:s30], [sflag:$0x3] =	stream.indirect_vreg.gather [hbm4b:s8+s3], $0x80, v2, vm0, $0xb8;
	[tilespmem:$0x1E200] =	vst v63  }
0x94: {  	s30 =	simm.s32 $0x16A00  }
0x95: {  	[tilespmem:s30], [sflag:$0x3] =	stream.indirect_vreg.gather [hbm4b:s9+s3], $0x80, v2, vm0, $0xb8;
	[tilespmem:$0x1E200] =	vst v63  }
0x96: {  	s30 =	simm.s32 $0x17200  }
0x97: {  	[tilespmem:s30], [sflag:$0x3] =	stream.indirect_vreg.gather [hbm4b:s10+s3], $0x80, v2, vm0, $0xb8;
	[tilespmem:$0x1E200] =	vst v63  }
0x98: {  	s30 =	simm.s32 $0x17A00  }
0x99: {  	[tilespmem:s30], [sflag:$0x3] =	stream.indirect_vreg.gather [hbm4b:s11+s3], $0x80, v2, vm0, $0xb8;
	[tilespmem:$0x1E200] =	vst v63  }
0x9a: {  	s30 =	simm.s32 $0x18200  }
0x9b: {  	[tilespmem:s30], [sflag:$0x3] =	stream.indirect_vreg.gather [hbm4b:s12+s3], $0x80, v2, vm0, $0xb8;
	[tilespmem:$0x1E200] =	vst v63  }
0x9c: {  	s30 =	simm.s32 $0x18A00  }
0x9d: {  	[tilespmem:s30], [sflag:$0x3] =	stream.indirect_vreg.gather [hbm4b:s13+s3], $0x80, v2, vm0, $0xb8;
	[tilespmem:$0x1E200] =	vst v63  }
0x9e: {  	s30 =	simm.s32 $0x19200  }
0x9f: {  	[tilespmem:s30], [sflag:$0x3] =	stream.indirect_vreg.gather [hbm4b:s14+s3], $0x80, v2, vm0, $0xb8;
	[tilespmem:$0x1E200] =	vst v63  }
0xa0: {  	s30 =	simm.s32 $0x19A00  }
0xa1: {  	[tilespmem:s30], [sflag:$0x3] =	stream.indirect_vreg.gather [hbm4b:s15+s3], $0x80, v2, vm0, $0xb8;
	[tilespmem:$0x1E200] =	vst v63  }
0xa2: {  	s30 =	simm.s32 $0x1A200  }
0xa3: {  	[tilespmem:s30], [sflag:$0x3] =	stream.indirect_vreg.gather [hbm4b:s16+s3], $0x80, v2, vm0, $0xb8;
	[tilespmem:$0x1E200] =	vst v63  }
0xa4: {  	s30 =	simm.s32 $0x1AA00  }
0xa5: {  	[tilespmem:s30], [sflag:$0x3] =	stream.indirect_vreg.gather [hbm4b:s17+s3], $0x80, v2, vm0, $0xb8;
	[tilespmem:$0x1E200] =	vst v63  }
0xa6: {  	_ = 	snop  }
0xa7: {  	[tilespmem:s25], [sflag:$0x3] =	stream.indirect_vreg.gather [hbm4b:s18+s3], $0x80, v2, vm0, $0xb8;
	[tilespmem:$0x1E200] =	vst v63  }
0xa8: {  	s25 =	simm.s32 $0x1BA00  }
0xa9: {  	[tilespmem:s25], [sflag:$0x3] =	stream.indirect_vreg.gather [hbm4b:s19+s3], $0x80, v2, vm0, $0xb8;
	[tilespmem:$0x1E200] =	vst v63  }
0xaa: {  	s30 =	simm.s32 $0x1C200  }
0xab: {  	[tilespmem:s30], [sflag:$0x3] =	stream.indirect_vreg.gather [hbm4b:s20+s3], $0x80, v2, vm0, $0xb8;
	[tilespmem:$0x1E200] =	vst v63  }
0xac: {  	s25 =	simm.s32 $0x1CA00  }
0xad: {  	[tilespmem:s25], [sflag:$0x3] =	stream.indirect_vreg.gather [hbm4b:s22+s3], $0x80, v2, vm0, $0xb8;
	[tilespmem:$0x1E200] =	vst v63  }
0xae: {  	s30 =	simm.s32 $0x1D200  }
0xaf: {  	[tilespmem:s30], [sflag:$0x3] =	stream.indirect_vreg.gather [hbm4b:s26+s3], $0x80, v2, vm0, $0xb8;
	[tilespmem:$0x1E200] =	vst v63  }
0xb0: {  	s25 =	simm.s32 $0x1DA00  }
0xb1: {  	[tilespmem:s25], [sflag:$0x3] =	stream.indirect_vreg.gather [hbm4b:s28+s3], $0x80, v2, vm0, $0xb8;
	[tilespmem:$0x1E200] =	vst v63  }
0xb2: {  	s25 =	simm.s32 $0x2  }
0xb3: {  	_ =	swait.ge [sflag:s25], $0xA000  }
0xb4: {  	[sflag:s25] =	ssyncset.done $0x0  }
0xb5: {  	s30 =	rddreg [dreg:$0xc];
	[sflag:s25] =	ssyncadd.s32 $0xFFFF6000  }
0xb6: {  	[hbm4b:s30+s3] =	stream.linear.scatter [tilespmem:s23], [sflag:$0x5], $0xA000, $0x38;
	[tilespmem:$0x1E200] =	vst v63  }
0xb7: {  	s23 =	simm.s32 $0x4  }
0xb8: {  	_ =	swait.ge [sflag:s23], $0xA000  }
0xb9: {  	[sflag:s23] =	ssyncset.done $0x0  }
0xba: {  	[sflag:s23] =	ssyncadd.s32 $0xFFFF6000  }
0xbb: {  	v2 =	vld.msk [tilespmem:$0x18], $0xff;
	_ =	sdelay $0x4  }
0xbc: {  	v3 =	vshrl.u32 v2, $0x3  }
0xbd: {  	v3 =	vmul.u32 $0x140, v3  }
0xbe: {  	v2 =	vand.u32 $0x7, v2  }
0xbf: {  	v2 =	vor.u32 v2, v3  }
0xc0: {  	v2 =	vperm.xlane v2, v0;
	_ =	sdelay $0x1  }
0xc1: {  	v2 =	vadd.s32 v1, v2;
	_ =	sdelay $0x4  }
0xc2: {  	[tilespmem:s2], [sflag:$0x1] =	stream.indirect_vreg.gather [hbm4b:s1+s3], $0x80, v2, vm0, $0xb8;
	[tilespmem:$0x1E200] =	vst v63  }
0xc3: {  	_ = 	snop  }
0xc4: {  	[tilespmem:s24], [sflag:$0x1] =	stream.indirect_vreg.gather [hbm4b:s5+s3], $0x80, v2, vm0, $0xb8;
	[tilespmem:$0x1E200] =	vst v63  }
0xc5: {  	_ = 	snop  }
0xc6: {  	[tilespmem:s29], [sflag:$0x1] =	stream.indirect_vreg.gather [hbm4b:s6+s3], $0x80, v2, vm0, $0xb8;
	[tilespmem:$0x1E200] =	vst v63  }
0xc7: {  	_ = 	snop  }
0xc8: {  	[tilespmem:s31], [sflag:$0x1] =	stream.indirect_vreg.gather [hbm4b:s7+s3], $0x80, v2, vm0, $0xb8;
	[tilespmem:$0x1E200] =	vst v63  }
0xc9: {  	s30 =	simm.s32 $0x2200  }
0xca: {  	[tilespmem:s30], [sflag:$0x1] =	stream.indirect_vreg.gather [hbm4b:s8+s3], $0x80, v2, vm0, $0xb8;
	[tilespmem:$0x1E200] =	vst v63  }
0xcb: {  	s2 =	simm.s32 $0x2A00  }
0xcc: {  	[tilespmem:s2], [sflag:$0x1] =	stream.indirect_vreg.gather [hbm4b:s9+s3], $0x80, v2, vm0, $0xb8;
	[tilespmem:$0x1E200] =	vst v63  }
0xcd: {  	s23 =	simm.s32 $0x3200  }
0xce: {  	[tilespmem:s23], [sflag:$0x1] =	stream.indirect_vreg.gather [hbm4b:s10+s3], $0x80, v2, vm0, $0xb8;
	[tilespmem:$0x1E200] =	vst v63  }
0xcf: {  	s24 =	simm.s32 $0x3A00  }
0xd0: {  	[tilespmem:s24], [sflag:$0x1] =	stream.indirect_vreg.gather [hbm4b:s11+s3], $0x80, v2, vm0, $0xb8;
	[tilespmem:$0x1E200] =	vst v63  }
0xd1: {  	s29 =	simm.s32 $0x4200  }
0xd2: {  	[tilespmem:s29], [sflag:$0x1] =	stream.indirect_vreg.gather [hbm4b:s12+s3], $0x80, v2, vm0, $0xb8;
	[tilespmem:$0x1E200] =	vst v63  }
0xd3: {  	s30 =	simm.s32 $0x4A00  }
0xd4: {  	[tilespmem:s30], [sflag:$0x1] =	stream.indirect_vreg.gather [hbm4b:s13+s3], $0x80, v2, vm0, $0xb8;
	[tilespmem:$0x1E200] =	vst v63  }
0xd5: {  	s2 =	simm.s32 $0x5200  }
0xd6: {  	[tilespmem:s2], [sflag:$0x1] =	stream.indirect_vreg.gather [hbm4b:s14+s3], $0x80, v2, vm0, $0xb8;
	[tilespmem:$0x1E200] =	vst v63  }
0xd7: {  	s23 =	simm.s32 $0x5A00  }
0xd8: {  	[tilespmem:s23], [sflag:$0x1] =	stream.indirect_vreg.gather [hbm4b:s15+s3], $0x80, v2, vm0, $0xb8;
	[tilespmem:$0x1E200] =	vst v63  }
0xd9: {  	s24 =	simm.s32 $0x6200  }
0xda: {  	[tilespmem:s24], [sflag:$0x1] =	stream.indirect_vreg.gather [hbm4b:s16+s3], $0x80, v2, vm0, $0xb8;
	[tilespmem:$0x1E200] =	vst v63  }
0xdb: {  	s29 =	simm.s32 $0x6A00  }
0xdc: {  	[tilespmem:s29], [sflag:$0x1] =	stream.indirect_vreg.gather [hbm4b:s17+s3], $0x80, v2, vm0, $0xb8;
	[tilespmem:$0x1E200] =	vst v63  }
0xdd: {  	s30 =	simm.s32 $0x7200  }
0xde: {  	[tilespmem:s30], [sflag:$0x1] =	stream.indirect_vreg.gather [hbm4b:s18+s3], $0x80, v2, vm0, $0xb8;
	[tilespmem:$0x1E200] =	vst v63  }
0xdf: {  	s2 =	simm.s32 $0x7A00  }
0xe0: {  	[tilespmem:s2], [sflag:$0x1] =	stream.indirect_vreg.gather [hbm4b:s19+s3], $0x80, v2, vm0, $0xb8;
	[tilespmem:$0x1E200] =	vst v63  }
0xe1: {  	s23 =	simm.s32 $0x8200  }
0xe2: {  	[tilespmem:s23], [sflag:$0x1] =	stream.indirect_vreg.gather [hbm4b:s20+s3], $0x80, v2, vm0, $0xb8;
	[tilespmem:$0x1E200] =	vst v63  }
0xe3: {  	s24 =	simm.s32 $0x8A00  }
0xe4: {  	[tilespmem:s24], [sflag:$0x1] =	stream.indirect_vreg.gather [hbm4b:s22+s3], $0x80, v2, vm0, $0xb8;
	[tilespmem:$0x1E200] =	vst v63  }
0xe5: {  	s4 =	simm.s32 $0x3;
	s29 =	simm.s32 $0x9200  }
0xe6: {  	[tilespmem:s29], [sflag:$0x1] =	stream.indirect_vreg.gather [hbm4b:s26+s3], $0x80, v2, vm0, $0xb8;
	[tilespmem:$0x1E200] =	vst v63  }
0xe7: {  	s31 =	simm.s32 $0x0;
	s30 =	simm.s32 $0x9A00;
	s23 =	simm.s32 $0x30  }
0xe8: {  	[tilespmem:s30], [sflag:$0x1] =	stream.indirect_vreg.gather [hbm4b:s28+s3], $0x80, v2, vm0, $0xb8;
	[tilespmem:$0x1E200] =	vst v63  }
.LBB2_2:
0xe9: {  	_ =	swait.ge [sflag:s4], $0xA000  }
0xea: {  	s0 =	rddreg [dreg:$0x6];
	[sflag:s4] =	ssyncset.done $0x0  }
0xeb: {  	s29 =	simm.s32 $0x14200;
	[sflag:s4] =	ssyncadd.s32 $0xFFFF6000;
	s0 =	sadd.s32 s31, s0  }
0xec: {  	[hbm4b:s0+s3] =	stream.linear.scatter [tilespmem:s29], [sflag:$0x6], $0xA000, $0x38;
	[tilespmem:$0x1E200] =	vst v63  }
0xed: {  	_ =	swait.ge [sflag:s21], $0xA000  }
0xee: {  	[sflag:s21] =	ssyncset.done $0x0  }
0xef: {  	[sflag:s21] =	ssyncadd.s32 $0xFFFF6000  }
0xf0: {  	v2 =	vld.msk [tilespmem:s23+$0xFFFFFFF0], $0xff;
	_ =	sdelay $0x4  }
0xf1: {  	v3 =	vshrl.u32 v2, $0x3  }
0xf2: {  	v3 =	vmul.u32 $0x140, v3  }
0xf3: {  	v2 =	vand.u32 $0x7, v2  }
0xf4: {  	v2 =	vor.u32 v2, v3  }
0xf5: {  	v2 =	vperm.xlane v2, v0;
	_ =	sdelay $0x1  }
0xf6: {  	v2 =	vadd.s32 v1, v2;
	_ =	sdelay $0x3  }
0xf7: {  	s2 =	simm.s32 $0xA200  }
0xf8: {  	[tilespmem:s2], [sflag:$0x2] =	stream.indirect_vreg.gather [hbm4b:s1+s3], $0x80, v2, vm0, $0xb8;
	[tilespmem:$0x1E200] =	vst v63  }
0xf9: {  	s24 =	simm.s32 $0xAA00  }
0xfa: {  	[tilespmem:s24], [sflag:$0x2] =	stream.indirect_vreg.gather [hbm4b:s5+s3], $0x80, v2, vm0, $0xb8;
	[tilespmem:$0x1E200] =	vst v63  }
0xfb: {  	s24 =	simm.s32 $0xB200  }
0xfc: {  	[tilespmem:s24], [sflag:$0x2] =	stream.indirect_vreg.gather [hbm4b:s6+s3], $0x80, v2, vm0, $0xb8;
	[tilespmem:$0x1E200] =	vst v63  }
0xfd: {  	s24 =	simm.s32 $0xBA00  }
0xfe: {  	[tilespmem:s24], [sflag:$0x2] =	stream.indirect_vreg.gather [hbm4b:s7+s3], $0x80, v2, vm0, $0xb8;
	[tilespmem:$0x1E200] =	vst v63  }
0xff: {  	s24 =	simm.s32 $0xC200  }
0x100: {  	[tilespmem:s24], [sflag:$0x2] =	stream.indirect_vreg.gather [hbm4b:s8+s3], $0x80, v2, vm0, $0xb8;
	[tilespmem:$0x1E200] =	vst v63  }
0x101: {  	s24 =	simm.s32 $0xCA00  }
0x102: {  	[tilespmem:s24], [sflag:$0x2] =	stream.indirect_vreg.gather [hbm4b:s9+s3], $0x80, v2, vm0, $0xb8;
	[tilespmem:$0x1E200] =	vst v63  }
0x103: {  	s24 =	simm.s32 $0xD200  }
0x104: {  	[tilespmem:s24], [sflag:$0x2] =	stream.indirect_vreg.gather [hbm4b:s10+s3], $0x80, v2, vm0, $0xb8;
	[tilespmem:$0x1E200] =	vst v63  }
0x105: {  	s24 =	simm.s32 $0xDA00  }
0x106: {  	[tilespmem:s24], [sflag:$0x2] =	stream.indirect_vreg.gather [hbm4b:s11+s3], $0x80, v2, vm0, $0xb8;
	[tilespmem:$0x1E200] =	vst v63  }
0x107: {  	s24 =	simm.s32 $0xE200  }
0x108: {  	[tilespmem:s24], [sflag:$0x2] =	stream.indirect_vreg.gather [hbm4b:s12+s3], $0x80, v2, vm0, $0xb8;
	[tilespmem:$0x1E200] =	vst v63  }
0x109: {  	s24 =	simm.s32 $0xEA00  }
0x10a: {  	[tilespmem:s24], [sflag:$0x2] =	stream.indirect_vreg.gather [hbm4b:s13+s3], $0x80, v2, vm0, $0xb8;
	[tilespmem:$0x1E200] =	vst v63  }
0x10b: {  	s24 =	simm.s32 $0xF200  }
0x10c: {  	[tilespmem:s24], [sflag:$0x2] =	stream.indirect_vreg.gather [hbm4b:s14+s3], $0x80, v2, vm0, $0xb8;
	[tilespmem:$0x1E200] =	vst v63  }
0x10d: {  	s24 =	simm.s32 $0xFA00  }
0x10e: {  	[tilespmem:s24], [sflag:$0x2] =	stream.indirect_vreg.gather [hbm4b:s15+s3], $0x80, v2, vm0, $0xb8;
	[tilespmem:$0x1E200] =	vst v63  }
0x10f: {  	s24 =	simm.s32 $0x10200  }
0x110: {  	[tilespmem:s24], [sflag:$0x2] =	stream.indirect_vreg.gather [hbm4b:s16+s3], $0x80, v2, vm0, $0xb8;
	[tilespmem:$0x1E200] =	vst v63  }
0x111: {  	s24 =	simm.s32 $0x10A00  }
0x112: {  	[tilespmem:s24], [sflag:$0x2] =	stream.indirect_vreg.gather [hbm4b:s17+s3], $0x80, v2, vm0, $0xb8;
	[tilespmem:$0x1E200] =	vst v63  }
0x113: {  	s24 =	simm.s32 $0x11200  }
0x114: {  	[tilespmem:s24], [sflag:$0x2] =	stream.indirect_vreg.gather [hbm4b:s18+s3], $0x80, v2, vm0, $0xb8;
	[tilespmem:$0x1E200] =	vst v63  }
0x115: {  	s24 =	simm.s32 $0x11A00  }
0x116: {  	[tilespmem:s24], [sflag:$0x2] =	stream.indirect_vreg.gather [hbm4b:s19+s3], $0x80, v2, vm0, $0xb8;
	[tilespmem:$0x1E200] =	vst v63  }
0x117: {  	s24 =	simm.s32 $0x12200  }
0x118: {  	[tilespmem:s24], [sflag:$0x2] =	stream.indirect_vreg.gather [hbm4b:s20+s3], $0x80, v2, vm0, $0xb8;
	[tilespmem:$0x1E200] =	vst v63  }
0x119: {  	s24 =	simm.s32 $0x12A00  }
0x11a: {  	[tilespmem:s24], [sflag:$0x2] =	stream.indirect_vreg.gather [hbm4b:s22+s3], $0x80, v2, vm0, $0xb8;
	[tilespmem:$0x1E200] =	vst v63  }
0x11b: {  	s24 =	simm.s32 $0x13200  }
0x11c: {  	[tilespmem:s24], [sflag:$0x2] =	stream.indirect_vreg.gather [hbm4b:s26+s3], $0x80, v2, vm0, $0xb8;
	[tilespmem:$0x1E200] =	vst v63  }
0x11d: {  	s24 =	simm.s32 $0x13A00  }
0x11e: {  	[tilespmem:s24], [sflag:$0x2] =	stream.indirect_vreg.gather [hbm4b:s28+s3], $0x80, v2, vm0, $0xb8;
	[tilespmem:$0x1E200] =	vst v63  }
0x11f: {  	s24 =	simm.s32 $0x1  }
0x120: {  	_ =	swait.ge [sflag:s24], $0xA000  }
0x121: {  	s0 =	rddreg [dreg:$0x5];
	[sflag:s24] =	ssyncset.done $0x0  }
0x122: {  	[sflag:s24] =	ssyncadd.s32 $0xFFFF6000;
	s0 =	sadd.s32 s31, s0;
	s24 =	simm.s32 $0x200  }
0x123: {  	[hbm4b:s0+s3] =	stream.linear.scatter [tilespmem:s24], [sflag:$0x4], $0xA000, $0x38;
	[tilespmem:$0x1E200] =	vst v63  }
0x124: {  	s0 =	simm.s32 $0x6  }
0x125: {  	_ =	swait.ge [sflag:s0], $0xA000  }
0x126: {  	[sflag:s0] =	ssyncset.done $0x0  }
0x127: {  	[sflag:s0] =	ssyncadd.s32 $0xFFFF6000  }
0x128: {  	v2 =	vld.msk [tilespmem:s23+$0xFFFFFFF8], $0xff;
	_ =	sdelay $0x4  }
0x129: {  	v3 =	vshrl.u32 v2, $0x3  }
0x12a: {  	v3 =	vmul.u32 $0x140, v3  }
0x12b: {  	v2 =	vand.u32 $0x7, v2  }
0x12c: {  	v2 =	vor.u32 v2, v3  }
0x12d: {  	v2 =	vperm.xlane v2, v0;
	_ =	sdelay $0x1  }
0x12e: {  	v2 =	vadd.s32 v1, v2;
	_ =	sdelay $0x4  }
0x12f: {  	[tilespmem:s29], [sflag:$0x3] =	stream.indirect_vreg.gather [hbm4b:s1+s3], $0x80, v2, vm0, $0xb8;
	[tilespmem:$0x1E200] =	vst v63  }
0x130: {  	s0 =	simm.s32 $0x14A00  }
0x131: {  	[tilespmem:s0], [sflag:$0x3] =	stream.indirect_vreg.gather [hbm4b:s5+s3], $0x80, v2, vm0, $0xb8;
	[tilespmem:$0x1E200] =	vst v63  }
0x132: {  	s0 =	simm.s32 $0x15200  }
0x133: {  	[tilespmem:s0], [sflag:$0x3] =	stream.indirect_vreg.gather [hbm4b:s6+s3], $0x80, v2, vm0, $0xb8;
	[tilespmem:$0x1E200] =	vst v63  }
0x134: {  	s0 =	simm.s32 $0x15A00  }
0x135: {  	[tilespmem:s0], [sflag:$0x3] =	stream.indirect_vreg.gather [hbm4b:s7+s3], $0x80, v2, vm0, $0xb8;
	[tilespmem:$0x1E200] =	vst v63  }
0x136: {  	s0 =	simm.s32 $0x16200  }
0x137: {  	[tilespmem:s0], [sflag:$0x3] =	stream.indirect_vreg.gather [hbm4b:s8+s3], $0x80, v2, vm0, $0xb8;
	[tilespmem:$0x1E200] =	vst v63  }
0x138: {  	s0 =	simm.s32 $0x16A00  }
0x139: {  	[tilespmem:s0], [sflag:$0x3] =	stream.indirect_vreg.gather [hbm4b:s9+s3], $0x80, v2, vm0, $0xb8;
	[tilespmem:$0x1E200] =	vst v63  }
0x13a: {  	s0 =	simm.s32 $0x17200  }
0x13b: {  	[tilespmem:s0], [sflag:$0x3] =	stream.indirect_vreg.gather [hbm4b:s10+s3], $0x80, v2, vm0, $0xb8;
	[tilespmem:$0x1E200] =	vst v63  }
0x13c: {  	s0 =	simm.s32 $0x17A00  }
0x13d: {  	[tilespmem:s0], [sflag:$0x3] =	stream.indirect_vreg.gather [hbm4b:s11+s3], $0x80, v2, vm0, $0xb8;
	[tilespmem:$0x1E200] =	vst v63  }
0x13e: {  	s0 =	simm.s32 $0x18200  }
0x13f: {  	[tilespmem:s0], [sflag:$0x3] =	stream.indirect_vreg.gather [hbm4b:s12+s3], $0x80, v2, vm0, $0xb8;
	[tilespmem:$0x1E200] =	vst v63  }
0x140: {  	s0 =	simm.s32 $0x18A00  }
0x141: {  	[tilespmem:s0], [sflag:$0x3] =	stream.indirect_vreg.gather [hbm4b:s13+s3], $0x80, v2, vm0, $0xb8;
	[tilespmem:$0x1E200] =	vst v63  }
0x142: {  	s0 =	simm.s32 $0x19200  }
0x143: {  	[tilespmem:s0], [sflag:$0x3] =	stream.indirect_vreg.gather [hbm4b:s14+s3], $0x80, v2, vm0, $0xb8;
	[tilespmem:$0x1E200] =	vst v63  }
0x144: {  	s0 =	simm.s32 $0x19A00  }
0x145: {  	[tilespmem:s0], [sflag:$0x3] =	stream.indirect_vreg.gather [hbm4b:s15+s3], $0x80, v2, vm0, $0xb8;
	[tilespmem:$0x1E200] =	vst v63  }
0x146: {  	s0 =	simm.s32 $0x1A200  }
0x147: {  	[tilespmem:s0], [sflag:$0x3] =	stream.indirect_vreg.gather [hbm4b:s16+s3], $0x80, v2, vm0, $0xb8;
	[tilespmem:$0x1E200] =	vst v63  }
0x148: {  	s0 =	simm.s32 $0x1AA00  }
0x149: {  	[tilespmem:s0], [sflag:$0x3] =	stream.indirect_vreg.gather [hbm4b:s17+s3], $0x80, v2, vm0, $0xb8;
	[tilespmem:$0x1E200] =	vst v63  }
0x14a: {  	s0 =	simm.s32 $0x1B200  }
0x14b: {  	[tilespmem:s0], [sflag:$0x3] =	stream.indirect_vreg.gather [hbm4b:s18+s3], $0x80, v2, vm0, $0xb8;
	[tilespmem:$0x1E200] =	vst v63  }
0x14c: {  	s0 =	simm.s32 $0x1BA00  }
0x14d: {  	[tilespmem:s0], [sflag:$0x3] =	stream.indirect_vreg.gather [hbm4b:s19+s3], $0x80, v2, vm0, $0xb8;
	[tilespmem:$0x1E200] =	vst v63  }
0x14e: {  	s0 =	simm.s32 $0x1C200  }
0x14f: {  	[tilespmem:s0], [sflag:$0x3] =	stream.indirect_vreg.gather [hbm4b:s20+s3], $0x80, v2, vm0, $0xb8;
	[tilespmem:$0x1E200] =	vst v63  }
0x150: {  	s0 =	simm.s32 $0x1CA00  }
0x151: {  	[tilespmem:s0], [sflag:$0x3] =	stream.indirect_vreg.gather [hbm4b:s22+s3], $0x80, v2, vm0, $0xb8;
	[tilespmem:$0x1E200] =	vst v63  }
0x152: {  	s0 =	simm.s32 $0x1D200  }
0x153: {  	[tilespmem:s0], [sflag:$0x3] =	stream.indirect_vreg.gather [hbm4b:s26+s3], $0x80, v2, vm0, $0xb8;
	[tilespmem:$0x1E200] =	vst v63  }
0x154: {  	s0 =	simm.s32 $0x1DA00  }
0x155: {  	[tilespmem:s0], [sflag:$0x3] =	stream.indirect_vreg.gather [hbm4b:s28+s3], $0x80, v2, vm0, $0xb8;
	[tilespmem:$0x1E200] =	vst v63  }
0x156: {  	_ =	swait.ge [sflag:s25], $0xA000  }
0x157: {  	s0 =	rddreg [dreg:$0x4];
	[sflag:s25] =	ssyncset.done $0x0  }
0x158: {  	[sflag:s25] =	ssyncadd.s32 $0xFFFF6000;
	s0 =	sadd.s32 s31, s0  }
0x159: {  	[hbm4b:s0+s3] =	stream.linear.scatter [tilespmem:s2], [sflag:$0x5], $0xA000, $0x38;
	[tilespmem:$0x1E200] =	vst v63  }
0x15a: {  	s2 =	simm.s32 $0x4  }
0x15b: {  	_ =	swait.ge [sflag:s2], $0xA000  }
0x15c: {  	[sflag:s2] =	ssyncset.done $0x0  }
0x15d: {  	[sflag:s2] =	ssyncadd.s32 $0xFFFF6000  }
0x15e: {  	v2 =	vld.msk [tilespmem:s23+$0x0], $0xff;
	_ =	sdelay $0x4  }
0x15f: {  	v3 =	vshrl.u32 v2, $0x3  }
0x160: {  	v3 =	vmul.u32 $0x140, v3  }
0x161: {  	v2 =	vand.u32 $0x7, v2  }
0x162: {  	v2 =	vor.u32 v2, v3  }
0x163: {  	v2 =	vperm.xlane v2, v0;
	_ =	sdelay $0x1  }
0x164: {  	v2 =	vadd.s32 v1, v2;
	_ =	sdelay $0x4  }
0x165: {  	[tilespmem:s24], [sflag:$0x1] =	stream.indirect_vreg.gather [hbm4b:s1+s3], $0x80, v2, vm0, $0xb8;
	[tilespmem:$0x1E200] =	vst v63  }
0x166: {  	s24 =	simm.s32 $0xA00  }
0x167: {  	[tilespmem:s24], [sflag:$0x1] =	stream.indirect_vreg.gather [hbm4b:s5+s3], $0x80, v2, vm0, $0xb8;
	[tilespmem:$0x1E200] =	vst v63  }
0x168: {  	s2 =	simm.s32 $0x1200  }
0x169: {  	[tilespmem:s2], [sflag:$0x1] =	stream.indirect_vreg.gather [hbm4b:s6+s3], $0x80, v2, vm0, $0xb8;
	[tilespmem:$0x1E200] =	vst v63  }
0x16a: {  	s2 =	simm.s32 $0x1A00  }
0x16b: {  	[tilespmem:s2], [sflag:$0x1] =	stream.indirect_vreg.gather [hbm4b:s7+s3], $0x80, v2, vm0, $0xb8;
	[tilespmem:$0x1E200] =	vst v63  }
0x16c: {  	s2 =	simm.s32 $0x2200  }
0x16d: {  	[tilespmem:s2], [sflag:$0x1] =	stream.indirect_vreg.gather [hbm4b:s8+s3], $0x80, v2, vm0, $0xb8;
	[tilespmem:$0x1E200] =	vst v63  }
0x16e: {  	s2 =	simm.s32 $0x2A00  }
0x16f: {  	[tilespmem:s2], [sflag:$0x1] =	stream.indirect_vreg.gather [hbm4b:s9+s3], $0x80, v2, vm0, $0xb8;
	[tilespmem:$0x1E200] =	vst v63  }
0x170: {  	s2 =	simm.s32 $0x3200  }
0x171: {  	[tilespmem:s2], [sflag:$0x1] =	stream.indirect_vreg.gather [hbm4b:s10+s3], $0x80, v2, vm0, $0xb8;
	[tilespmem:$0x1E200] =	vst v63  }
0x172: {  	s2 =	simm.s32 $0x3A00  }
0x173: {  	[tilespmem:s2], [sflag:$0x1] =	stream.indirect_vreg.gather [hbm4b:s11+s3], $0x80, v2, vm0, $0xb8;
	[tilespmem:$0x1E200] =	vst v63  }
0x174: {  	s2 =	simm.s32 $0x4200  }
0x175: {  	[tilespmem:s2], [sflag:$0x1] =	stream.indirect_vreg.gather [hbm4b:s12+s3], $0x80, v2, vm0, $0xb8;
	[tilespmem:$0x1E200] =	vst v63  }
0x176: {  	s2 =	simm.s32 $0x4A00  }
0x177: {  	[tilespmem:s2], [sflag:$0x1] =	stream.indirect_vreg.gather [hbm4b:s13+s3], $0x80, v2, vm0, $0xb8;
	[tilespmem:$0x1E200] =	vst v63  }
0x178: {  	s2 =	simm.s32 $0x5200  }
0x179: {  	[tilespmem:s2], [sflag:$0x1] =	stream.indirect_vreg.gather [hbm4b:s14+s3], $0x80, v2, vm0, $0xb8;
	[tilespmem:$0x1E200] =	vst v63  }
0x17a: {  	s2 =	simm.s32 $0x5A00  }
0x17b: {  	[tilespmem:s2], [sflag:$0x1] =	stream.indirect_vreg.gather [hbm4b:s15+s3], $0x80, v2, vm0, $0xb8;
	[tilespmem:$0x1E200] =	vst v63  }
0x17c: {  	s2 =	simm.s32 $0x6200  }
0x17d: {  	[tilespmem:s2], [sflag:$0x1] =	stream.indirect_vreg.gather [hbm4b:s16+s3], $0x80, v2, vm0, $0xb8;
	[tilespmem:$0x1E200] =	vst v63  }
0x17e: {  	s2 =	simm.s32 $0x6A00  }
0x17f: {  	[tilespmem:s2], [sflag:$0x1] =	stream.indirect_vreg.gather [hbm4b:s17+s3], $0x80, v2, vm0, $0xb8;
	[tilespmem:$0x1E200] =	vst v63  }
0x180: {  	s2 =	simm.s32 $0x7200  }
0x181: {  	[tilespmem:s2], [sflag:$0x1] =	stream.indirect_vreg.gather [hbm4b:s18+s3], $0x80, v2, vm0, $0xb8;
	[tilespmem:$0x1E200] =	vst v63  }
0x182: {  	s2 =	simm.s32 $0x7A00  }
0x183: {  	[tilespmem:s2], [sflag:$0x1] =	stream.indirect_vreg.gather [hbm4b:s19+s3], $0x80, v2, vm0, $0xb8;
	[tilespmem:$0x1E200] =	vst v63  }
0x184: {  	s2 =	simm.s32 $0x8200  }
0x185: {  	[tilespmem:s2], [sflag:$0x1] =	stream.indirect_vreg.gather [hbm4b:s20+s3], $0x80, v2, vm0, $0xb8;
	[tilespmem:$0x1E200] =	vst v63  }
0x186: {  	p0 =	sne.s32 s31, $0x47400;
	s2 =	simm.s32 $0x8A00  }
0x187: {  	[tilespmem:s2], [sflag:$0x1] =	stream.indirect_vreg.gather [hbm4b:s22+s3], $0x80, v2, vm0, $0xb8;
	[tilespmem:$0x1E200] =	vst v63  }
.Ltmp0:
0x188: {  	_ = 	snop;
	(pc) =	sbr.rel @p0 .LBB2_2-.Ltmp0, $4  }
0x189: {  	s30 =	simm.s32 $0x14200;
	s29 =	simm.s32 $0x200;
	s2 =	simm.s32 $0x9200  }
0x18a: {  	[tilespmem:s2], [sflag:$0x1] =	stream.indirect_vreg.gather [hbm4b:s26+s3], $0x80, v2, vm0, $0xb8;
	[tilespmem:$0x1E200] =	vst v63  }
0x18b: {  	s31 =	sadd.s32 $0x3C00, s31;
	s23 =	sadd.s32 $0x18, s23;
	s2 =	simm.s32 $0x9A00  }
0x18c: {  	[tilespmem:s2], [sflag:$0x1] =	stream.indirect_vreg.gather [hbm4b:s28+s3], $0x80, v2, vm0, $0xb8;
	[tilespmem:$0x1E200] =	vst v63  }
0x18d: {  	_ =	swait.ge [sflag:s4], $0xA000  }
0x18e: {  	[sflag:s4] =	ssyncset.done $0x0  }
0x18f: {  	s0 =	rddreg [dreg:$0x9];
	[sflag:s4] =	ssyncadd.s32 $0xFFFF6000  }
0x190: {  	[hbm4b:s0+s3] =	stream.linear.scatter [tilespmem:s30], [sflag:$0x6], $0xA000, $0x38;
	[tilespmem:$0x1E200] =	vst v63  }
0x191: {  	_ =	swait.ge [sflag:s21], $0xA000  }
0x192: {  	[sflag:s21] =	ssyncset.done $0x0  }
0x193: {  	s25 =	simm.s32 $0x1;
	[sflag:s21] =	ssyncadd.s32 $0xFFFF6000  }
0x194: {  	_ =	swait.ge [sflag:s25], $0xA000  }
0x195: {  	[sflag:s25] =	ssyncset.done $0x0  }
0x196: {  	s4 =	simm.s32 $0x6;
	s2 =	rddreg [dreg:$0xa];
	[sflag:s25] =	ssyncadd.s32 $0xFFFF6000  }
0x197: {  	[hbm4b:s2+s3] =	stream.linear.scatter [tilespmem:s29], [sflag:$0x4], $0xA000, $0x38;
	[tilespmem:$0x1E200] =	vst v63  }
0x198: {  	_ =	swait.ge [sflag:s4], $0xA000  }
0x199: {  	[sflag:s4] =	ssyncset.done $0x0  }
0x19a: {  	s2 =	simm.s32 $0x4;
	[sflag:s4] =	ssyncadd.s32 $0xFFFF6000  }
0x19b: {  	_ =	swait.ge [sflag:s2], $0xA000  }
0x19c: {  	s23 =	rddreg [dreg:$0xd]  }
0x19d: {  	s25 =	rddreg [dreg:$0xb];
	s4 =	sadd.s32 $0x1, s23  }
0x19e: {  	p0 =	sne.s32 s4, s25  }
.Ltmp1:
0x19f: {  	_ = 	snop;
	(pc) =	sbr.rel @p0 .LBB2_1-.Ltmp1, $3  }
0x1a0: {  	_ =	sdelay $0x1  }
0x1a1: {  	s31 =	simm.s32 $0x1A00;
	[sflag:s2] =	ssyncset.done $0x0  }
0x1a2: {  	s29 =	simm.s32 $0x1200;
	[sflag:s2] =	ssyncadd.s32 $0xFFFF6000;
	s25 =	simm.s32 $0x1B200  }
0x1a3: {  	_ =	sfence.sel $0x180000  }
0x1a4: {  	[bflag:$0x0] =	sbarrier.arrive $0xFFFF  }
0x1a5: {  	_ =	strace $0x90000047  }
0x1a6: {  	s0 =	stileid.u32;
	[bflag:$0x2] =	sbarrier.arrive $0xFFFF  }
0x1a7: {  	p0 =	sne.s32 s0, $0x0;
	s0 =	rddreg [dreg:$0x3]  }
0x1a8: {  	s0 =	sadd.s32 @!p0 $0x100000, s0  }
0x1a9: {  	[sflag:s0] =	ssyncadd.tile.s32 @!p0 $0x1;
	_ =	shalt  }
.Lfunc_end2:
_tile_overlayer_lowered:
.L_overlay_start_2:
0x1aa: {  	(tag) =	ssettag $0x2  }
0x1ab: {  	s0 =	rddreg [dreg:$0x0];
	s2 =	stileid.u32  }
0x1ac: {  	s1 =	rddreg [dreg:$0x1];
	p0 =	sne.s32 s2, $0x0  }
0x1ad: {  	s3 =	rddreg [dreg:$0x2];
	[bflag:$0x3] =	sbarrier.arrive $0xFFFF;
	s2 =	simm.s32 @!p0 $0x1C07  }
0x1ae: {  	[timem:s3], [sflag:s2] =	dma.local @!p0 [hbm:s0], s1  }
0x1af: {  	s0 =	simm.s32 @!p0 $0x7  }
0x1b0: {  	_ =	swait.ge @!p0 [sflag:s0], s1  }
0x1b1: {  	s1 =	ssub.s32 @!p0 $0x0, s1;
	[sflag:s0] =	ssyncset.done @!p0 $0x0  }
0x1b2: {  	[sflag:s0] =	ssyncadd.s32 @!p0 s1  }
0x1b3: {  	[bflag:$0x3] =	sbarrier.arrive $0xFFFF  }
0x1b4: {  	_ =	shalt  }

</sc_bundles>
